<compile_context>
chip_gen: v7x
topology: tpu7x:2x2x1
jax: 0.10.2.dev20260603
libtpu: 0.0.44.dev20260713+nightly
codegen_flags: <defaults>
</compile_context>

<pallas_src>
import functools

import jax
import jax.numpy as jnp
from jax import lax
from jax.experimental import pallas as pl
from jax.experimental.pallas import tpu as pltpu
from jax.experimental.pallas import tpu_sc as plsc

_NUM_NODES = 10000
_DIM = 128
_NUM_EDGES = 320000
_NW = 32
_EPW = _NUM_EDGES // _NW
_CHUNK = 80
_NCHUNK = _EPW // _CHUNK
_GROUPS = _CHUNK // 16
_KB = _DIM // 16


def _decoder_body(h_hbm, src_hbm, dst_hbm, out_hbm,
                  idx_s_v, idx_d_v, rows_s_v, rows_d_v, part_v, out_v, sem):
    wid = lax.axis_index("s") * 2 + lax.axis_index("c")
    wbase = wid * _EPW
    lane = lax.iota(jnp.int32, 16)

    def chunk_body(c, _):
        base = wbase + c * _CHUNK
        pltpu.sync_copy(src_hbm.at[pl.ds(base, _CHUNK)], idx_s_v)
        pltpu.sync_copy(dst_hbm.at[pl.ds(base, _CHUNK)], idx_d_v)
        cp_s = pltpu.async_copy(h_hbm.at[idx_s_v], rows_s_v, sem)
        cp_d = pltpu.async_copy(h_hbm.at[idx_d_v], rows_d_v, sem)
        cp_s.wait()
        cp_d.wait()

        def group_body(g, _):
            for e in range(16):
                row = g * 16 + e
                acc = rows_s_v[row, pl.ds(0, 16)] * rows_d_v[row, pl.ds(0, 16)]
                for k in range(1, _KB):
                    acc = acc + (rows_s_v[row, pl.ds(k * 16, 16)]
                                 * rows_d_v[row, pl.ds(k * 16, 16)])
                part_v[pl.ds(e * 16, 16)] = acc
            lane16 = lane * 16
            tot = plsc.load_gather(part_v, [lane16])
            for k in range(1, 16):
                tot = tot + plsc.load_gather(part_v, [lane16 + k])
            out_v[pl.ds(g * 16, 16)] = 1.0 / (1.0 + jnp.exp(-tot))
            return 0

        lax.fori_loop(0, _GROUPS, group_body, 0)
        pltpu.sync_copy(out_v, out_hbm.at[pl.ds(base, _CHUNK)])
        return 0

    lax.fori_loop(0, _NCHUNK, chunk_body, 0)


@functools.partial(jax.jit, static_argnames=())
def _decode(h, src, dst):
    mesh = plsc.VectorSubcoreMesh(core_axis_name="c", subcore_axis_name="s",
                                  num_cores=2, num_subcores=16)
    f = pl.kernel(
        _decoder_body,
        out_type=jax.ShapeDtypeStruct((_NUM_EDGES,), jnp.float32),
        mesh=mesh,
        scratch_types=[
            pltpu.VMEM((_CHUNK,), jnp.int32),
            pltpu.VMEM((_CHUNK,), jnp.int32),
            pltpu.VMEM((_CHUNK, _DIM), jnp.float32),
            pltpu.VMEM((_CHUNK, _DIM), jnp.float32),
            pltpu.VMEM((256,), jnp.float32),
            pltpu.VMEM((_CHUNK,), jnp.float32),
            pltpu.SemaphoreType.DMA,
        ],
        compiler_params=pltpu.CompilerParams(needs_layout_passes=False),
    )
    return f(h, src, dst)


def kernel(h, edge_index):
    ei = edge_index.astype(jnp.int32)
    return _decode(h, ei[0], ei[1])

# --- scband reference (transcript-rebuilt; emitter-appended) ---
"""Pipeline reference for scband-dot-product-decoder-37898791420626 (READ-ONLY COPY).

The authoritative reference and input builder live on the scoring server;
editing this copy changes nothing except your own understanding.
"""

import jax, jax.numpy as jnp
import numpy as np


def setup_inputs(seed: int = 0) -> dict:
    key = jax.random.key(seed)
    k1, k2 = jax.random.split(key)
    h = jax.random.normal(k1, (10000, 128), dtype=jnp.float32)
    edge_index = jax.random.randint(k2, (2, 320000), 0, 10000, dtype=jnp.int64)
    return {"h": h, "edge_index": edge_index}


def reference(h, edge_index):
    h_src = jnp.take(h, edge_index[0], axis=0)
    h_dst = jnp.take(h, edge_index[1], axis=0)
    edge_scores = jax.nn.sigmoid(jnp.sum(h_src * h_dst, axis=-1))
    return edge_scores

if __name__ == "__main__":
    import jax
    _d = setup_inputs()
    print(jax.jit(kernel)(*tuple(_d.values())))

</pallas_src>

<mosaic_0001>
#map = affine_map<(d0, d1) -> (0, 0)>
#map1 = affine_map<(d0, d1) -> (0)>
module attributes {stable_mosaic.version = 14 : i64} {
  func.func @_decoder_body(%arg0: i32, %arg1: i32, %arg2: memref<10000x128xf32, #tpu.memory_space<hbm>>, %arg3: memref<320000xi32, #tpu.memory_space<hbm>>, %arg4: memref<320000xi32, #tpu.memory_space<hbm>>, %arg5: memref<320000xf32, #tpu.memory_space<hbm>>, %arg6: memref<80xi32, #tpu.memory_space<vmem>>, %arg7: memref<80xi32, #tpu.memory_space<vmem>>, %arg8: memref<80x128xf32, #tpu.memory_space<vmem>>, %arg9: memref<80x128xf32, #tpu.memory_space<vmem>>, %arg10: memref<256xf32, #tpu.memory_space<vmem>>, %arg11: memref<80xf32, #tpu.memory_space<vmem>>, %arg12: memref<!tpu.dma_semaphore, #tpu.memory_space<semaphore_mem>>) attributes {dimension_semantics = [#tpu.dimension_semantics<core_parallel>, #tpu.dimension_semantics<subcore_parallel>], iteration_bounds = array<i64: 2, 16>, scalar_prefetch = 0 : i64, scratch_operands = 7 : i64, tpu.core_type = #tpu.core_type<sc_vector_subcore>, window_params = [{transform_indices = #map}, {transform_indices = #map1}, {transform_indices = #map1}, {transform_indices = #map1}]} {
    %mul3A = arith.constant 2 : i32
    %mul3A_0 = arith.muli %arg1, %mul3A : i32
    %add3A = arith.addi %mul3A_0, %arg0 : i32
    %mul3A_1 = arith.constant 10000 : i32
    %mul3A_2 = arith.muli %add3A, %mul3A_1 : i32
    %iota3A = tpu.iota {dimensions = array<i32: 0>} : vector<16xi32>
    %scan3A = arith.constant 0 : i32
    %scan3A_3 = arith.constant 0 : i32
    %scan3A_4 = arith.constant 125 : i32
    %scan3A_5 = arith.addi %scan3A_3, %scan3A_4 : i32
    %scan3A_6 = arith.constant 1 : i32
    %scan3A_7 = scf.for %scan3A_9 = %scan3A_3 to %scan3A_5 step %scan3A_6 iter_args(%scan3A_10 = %scan3A) -> (i32)  : i32 {
      %mul3A_11 = arith.constant 80 : i32
      %mul3A_12 = arith.muli %scan3A_9, %mul3A_11 : i32
      %add3A_13 = arith.addi %mul3A_2, %mul3A_12 : i32
      "tpu.region"() ({
        %run_scoped3A = tpu.sem_alloc : memref<!tpu.dma_semaphore, #tpu.memory_space<semaphore_mem>>
        %dma_start3A_32 = tpu.memref_slice %arg3[%add3A_13] : memref<320000xi32, #tpu.memory_space<hbm>> -> memref<80xi32, #tpu.memory_space<hbm>>
        %dma_start3A_33 = tpu.memref_slice %arg3[%add3A_13] : memref<320000xi32, #tpu.memory_space<hbm>> -> memref<80xi32, #tpu.memory_space<hbm>>
        tpu.enqueue_dma source(%dma_start3A_33 : memref<80xi32, #tpu.memory_space<hbm>>) target(%arg6 : memref<80xi32, #tpu.memory_space<vmem>>) target_semaphore(%run_scoped3A : memref<!tpu.dma_semaphore, #tpu.memory_space<semaphore_mem>>)
        %dma_wait3A_34 = tpu.memref_slice %arg3[%add3A_13] : memref<320000xi32, #tpu.memory_space<hbm>> -> memref<80xi32, #tpu.memory_space<hbm>>
        %dma_wait3A_35 = tpu.memref_slice %arg3[%add3A_13] : memref<320000xi32, #tpu.memory_space<hbm>> -> memref<80xi32, #tpu.memory_space<hbm>>
        tpu.wait_dma2 semaphore(%run_scoped3A : memref<!tpu.dma_semaphore, #tpu.memory_space<semaphore_mem>>) src(%dma_wait3A_35 : memref<80xi32, #tpu.memory_space<hbm>>) dst(%arg6 : memref<80xi32, #tpu.memory_space<vmem>>)
        tpu.yield
      }) : () -> ()
      "tpu.region"() ({
        %run_scoped3A = tpu.sem_alloc : memref<!tpu.dma_semaphore, #tpu.memory_space<semaphore_mem>>
        %dma_start3A_32 = tpu.memref_slice %arg4[%add3A_13] : memref<320000xi32, #tpu.memory_space<hbm>> -> memref<80xi32, #tpu.memory_space<hbm>>
        %dma_start3A_33 = tpu.memref_slice %arg4[%add3A_13] : memref<320000xi32, #tpu.memory_space<hbm>> -> memref<80xi32, #tpu.memory_space<hbm>>
        tpu.enqueue_dma source(%dma_start3A_33 : memref<80xi32, #tpu.memory_space<hbm>>) target(%arg7 : memref<80xi32, #tpu.memory_space<vmem>>) target_semaphore(%run_scoped3A : memref<!tpu.dma_semaphore, #tpu.memory_space<semaphore_mem>>)
        %dma_wait3A_34 = tpu.memref_slice %arg4[%add3A_13] : memref<320000xi32, #tpu.memory_space<hbm>> -> memref<80xi32, #tpu.memory_space<hbm>>
        %dma_wait3A_35 = tpu.memref_slice %arg4[%add3A_13] : memref<320000xi32, #tpu.memory_space<hbm>> -> memref<80xi32, #tpu.memory_space<hbm>>
        tpu.wait_dma2 semaphore(%run_scoped3A : memref<!tpu.dma_semaphore, #tpu.memory_space<semaphore_mem>>) src(%dma_wait3A_35 : memref<80xi32, #tpu.memory_space<hbm>>) dst(%arg7 : memref<80xi32, #tpu.memory_space<vmem>>)
        tpu.yield
      }) : () -> ()
      %dma_start3A = arith.constant 0 : i32
      %dma_start3A_14 = arith.constant 0 : i32
      %dma_start3A_15 = tpu.memref_slice %arg2[%dma_start3A, %dma_start3A_14] : memref<10000x128xf32, #tpu.memory_space<hbm>> -> memref<10000x128xf32, #tpu.memory_space<hbm>>
      tpu.enqueue_indirect_dma source(%dma_start3A_15 : memref<10000x128xf32, #tpu.memory_space<hbm>>) target(%arg8 : memref<80x128xf32, #tpu.memory_space<vmem>>) offsets(%arg6 : memref<80xi32, #tpu.memory_space<vmem>>) semaphore(%arg12 : memref<!tpu.dma_semaphore, #tpu.memory_space<semaphore_mem>>)
      %dma_start3A_16 = arith.constant 0 : i32
      %dma_start3A_17 = arith.constant 0 : i32
      %dma_start3A_18 = tpu.memref_slice %arg2[%dma_start3A_16, %dma_start3A_17] : memref<10000x128xf32, #tpu.memory_space<hbm>> -> memref<10000x128xf32, #tpu.memory_space<hbm>>
      tpu.enqueue_indirect_dma source(%dma_start3A_18 : memref<10000x128xf32, #tpu.memory_space<hbm>>) target(%arg9 : memref<80x128xf32, #tpu.memory_space<vmem>>) offsets(%arg7 : memref<80xi32, #tpu.memory_space<vmem>>) semaphore(%arg12 : memref<!tpu.dma_semaphore, #tpu.memory_space<semaphore_mem>>)
      %dma_wait3A = arith.constant 0 : i32
      %dma_wait3A_19 = arith.constant 0 : i32
      %dma_wait3A_20 = tpu.memref_slice %arg2[%dma_wait3A, %dma_wait3A_19] : memref<10000x128xf32, #tpu.memory_space<hbm>> -> memref<10000x128xf32, #tpu.memory_space<hbm>>
      tpu.wait_indirect_dma semaphore(%arg12 : memref<!tpu.dma_semaphore, #tpu.memory_space<semaphore_mem>>) src(%dma_wait3A_20 : memref<10000x128xf32, #tpu.memory_space<hbm>>) dst(%arg8 : memref<80x128xf32, #tpu.memory_space<vmem>>)
      %dma_wait3A_21 = arith.constant 0 : i32
      %dma_wait3A_22 = arith.constant 0 : i32
      %dma_wait3A_23 = tpu.memref_slice %arg2[%dma_wait3A_21, %dma_wait3A_22] : memref<10000x128xf32, #tpu.memory_space<hbm>> -> memref<10000x128xf32, #tpu.memory_space<hbm>>
      tpu.wait_indirect_dma semaphore(%arg12 : memref<!tpu.dma_semaphore, #tpu.memory_space<semaphore_mem>>) src(%dma_wait3A_23 : memref<10000x128xf32, #tpu.memory_space<hbm>>) dst(%arg9 : memref<80x128xf32, #tpu.memory_space<vmem>>)
      %scan3A_24 = arith.constant 0 : i32
      %scan3A_25 = arith.constant 0 : i32
      %scan3A_26 = arith.constant 5 : i32
      %scan3A_27 = arith.addi %scan3A_25, %scan3A_26 : i32
      %scan3A_28 = arith.constant 1 : i32
      %scan3A_29 = scf.for %scan3A_32 = %scan3A_25 to %scan3A_27 step %scan3A_28 iter_args(%scan3A_33 = %scan3A_24) -> (i32)  : i32 {
        %mul3A_34 = arith.constant 16 : i32
        %mul3A_35 = arith.muli %scan3A_32, %mul3A_34 : i32
        %add3A_36 = arith.constant 0 : i32
        %add3A_37 = arith.addi %mul3A_35, %add3A_36 : i32
        %get3A = arith.index_cast %add3A_37 : i32 to index
        %get3A_38 = arith.constant 0 : index
        %get3A_39 = tpu.vector_load %arg8[%get3A, %get3A_38] {strides = array<i32>} : memref<80x128xf32, #tpu.memory_space<vmem>>, vector<16xf32>,
        %get3A_40 = arith.index_cast %add3A_37 : i32 to index
        %get3A_41 = arith.constant 0 : index
        %get3A_42 = tpu.vector_load %arg9[%get3A_40, %get3A_41] {strides = array<i32>} : memref<80x128xf32, #tpu.memory_space<vmem>>, vector<16xf32>,
        %mul3A_43 = arith.mulf %get3A_39, %get3A_42 : vector<16xf32>
        %get3A_44 = arith.index_cast %add3A_37 : i32 to index
        %get3A_45 = arith.constant 16 : index
        %get3A_46 = tpu.vector_load %arg8[%get3A_44, %get3A_45] {strides = array<i32>} : memref<80x128xf32, #tpu.memory_space<vmem>>, vector<16xf32>,
        %get3A_47 = arith.index_cast %add3A_37 : i32 to index
        %get3A_48 = arith.constant 16 : index
        %get3A_49 = tpu.vector_load %arg9[%get3A_47, %get3A_48] {strides = array<i32>} : memref<80x128xf32, #tpu.memory_space<vmem>>, vector<16xf32>,
        %mul3A_50 = arith.mulf %get3A_46, %get3A_49 : vector<16xf32>
        %add3A_51 = arith.addf %mul3A_43, %mul3A_50 : vector<16xf32>
        %get3A_52 = arith.index_cast %add3A_37 : i32 to index
        %get3A_53 = arith.constant 32 : index
        %get3A_54 = tpu.vector_load %arg8[%get3A_52, %get3A_53] {strides = array<i32>} : memref<80x128xf32, #tpu.memory_space<vmem>>, vector<16xf32>,
        %get3A_55 = arith.index_cast %add3A_37 : i32 to index
        %get3A_56 = arith.constant 32 : index
        %get3A_57 = tpu.vector_load %arg9[%get3A_55, %get3A_56] {strides = array<i32>} : memref<80x128xf32, #tpu.memory_space<vmem>>, vector<16xf32>,
        %mul3A_58 = arith.mulf %get3A_54, %get3A_57 : vector<16xf32>
        %add3A_59 = arith.addf %add3A_51, %mul3A_58 : vector<16xf32>
        %get3A_60 = arith.index_cast %add3A_37 : i32 to index
        %get3A_61 = arith.constant 48 : index
        %get3A_62 = tpu.vector_load %arg8[%get3A_60, %get3A_61] {strides = array<i32>} : memref<80x128xf32, #tpu.memory_space<vmem>>, vector<16xf32>,
        %get3A_63 = arith.index_cast %add3A_37 : i32 to index
        %get3A_64 = arith.constant 48 : index
        %get3A_65 = tpu.vector_load %arg9[%get3A_63, %get3A_64] {strides = array<i32>} : memref<80x128xf32, #tpu.memory_space<vmem>>, vector<16xf32>,
        %mul3A_66 = arith.mulf %get3A_62, %get3A_65 : vector<16xf32>
        %add3A_67 = arith.addf %add3A_59, %mul3A_66 : vector<16xf32>
        %get3A_68 = arith.index_cast %add3A_37 : i32 to index
        %get3A_69 = arith.constant 64 : index
        %get3A_70 = tpu.vector_load %arg8[%get3A_68, %get3A_69] {strides = array<i32>} : memref<80x128xf32, #tpu.memory_space<vmem>>, vector<16xf32>,
        %get3A_71 = arith.index_cast %add3A_37 : i32 to index
        %get3A_72 = arith.constant 64 : index
        %get3A_73 = tpu.vector_load %arg9[%get3A_71, %get3A_72] {strides = array<i32>} : memref<80x128xf32, #tpu.memory_space<vmem>>, vector<16xf32>,
        %mul3A_74 = arith.mulf %get3A_70, %get3A_73 : vector<16xf32>
        %add3A_75 = arith.addf %add3A_67, %mul3A_74 : vector<16xf32>
        %get3A_76 = arith.index_cast %add3A_37 : i32 to index
        %get3A_77 = arith.constant 80 : index
        %get3A_78 = tpu.vector_load %arg8[%get3A_76, %get3A_77] {strides = array<i32>} : memref<80x128xf32, #tpu.memory_space<vmem>>, vector<16xf32>,
        %get3A_79 = arith.index_cast %add3A_37 : i32 to index
        %get3A_80 = arith.constant 80 : index
        %get3A_81 = tpu.vector_load %arg9[%get3A_79, %get3A_80] {strides = array<i32>} : memref<80x128xf32, #tpu.memory_space<vmem>>, vector<16xf32>,
        %mul3A_82 = arith.mulf %get3A_78, %get3A_81 : vector<16xf32>
        %add3A_83 = arith.addf %add3A_75, %mul3A_82 : vector<16xf32>
        %get3A_84 = arith.index_cast %add3A_37 : i32 to index
        %get3A_85 = arith.constant 96 : index
        %get3A_86 = tpu.vector_load %arg8[%get3A_84, %get3A_85] {strides = array<i32>} : memref<80x128xf32, #tpu.memory_space<vmem>>, vector<16xf32>,
        %get3A_87 = arith.index_cast %add3A_37 : i32 to index
        %get3A_88 = arith.constant 96 : index
        %get3A_89 = tpu.vector_load %arg9[%get3A_87, %get3A_88] {strides = array<i32>} : memref<80x128xf32, #tpu.memory_space<vmem>>, vector<16xf32>,
        %mul3A_90 = arith.mulf %get3A_86, %get3A_89 : vector<16xf32>
        %add3A_91 = arith.addf %add3A_83, %mul3A_90 : vector<16xf32>
        %get3A_92 = arith.index_cast %add3A_37 : i32 to index
        %get3A_93 = arith.constant 112 : index
        %get3A_94 = tpu.vector_load %arg8[%get3A_92, %get3A_93] {strides = array<i32>} : memref<80x128xf32, #tpu.memory_space<vmem>>, vector<16xf32>,
        %get3A_95 = arith.index_cast %add3A_37 : i32 to index
        %get3A_96 = arith.constant 112 : index
        %get3A_97 = tpu.vector_load %arg9[%get3A_95, %get3A_96] {strides = array<i32>} : memref<80x128xf32, #tpu.memory_space<vmem>>, vector<16xf32>,
        %mul3A_98 = arith.mulf %get3A_94, %get3A_97 : vector<16xf32>
        %add3A_99 = arith.addf %add3A_91, %mul3A_98 : vector<16xf32>
        %swap3A = arith.constant 0 : index
        %swap3A_100 = tpu.vector_load %arg10[%swap3A] {strides = array<i32>} : memref<256xf32, #tpu.memory_space<vmem>>, vector<16xf32>,
        tpu.vector_store %arg10[%swap3A], %add3A_99 {strides = array<i32>} : memref<256xf32, #tpu.memory_space<vmem>>, vector<16xf32>,
        %mul3A_101 = arith.constant 16 : i32
        %mul3A_102 = arith.muli %scan3A_32, %mul3A_101 : i32
        %add3A_103 = arith.constant 1 : i32
        %add3A_104 = arith.addi %mul3A_102, %add3A_103 : i32
        %get3A_105 = arith.index_cast %add3A_104 : i32 to index
        %get3A_106 = arith.constant 0 : index
        %get3A_107 = tpu.vector_load %arg8[%get3A_105, %get3A_106] {strides = array<i32>} : memref<80x128xf32, #tpu.memory_space<vmem>>, vector<16xf32>,
        %get3A_108 = arith.index_cast %add3A_104 : i32 to index
        %get3A_109 = arith.constant 0 : index
        %get3A_110 = tpu.vector_load %arg9[%get3A_108, %get3A_109] {strides = array<i32>} : memref<80x128xf32, #tpu.memory_space<vmem>>, vector<16xf32>,
        %mul3A_111 = arith.mulf %get3A_107, %get3A_110 : vector<16xf32>
        %get3A_112 = arith.index_cast %add3A_104 : i32 to index
        %get3A_113 = arith.constant 16 : index
        %get3A_114 = tpu.vector_load %arg8[%get3A_112, %get3A_113] {strides = array<i32>} : memref<80x128xf32, #tpu.memory_space<vmem>>, vector<16xf32>,
        %get3A_115 = arith.index_cast %add3A_104 : i32 to index
        %get3A_116 = arith.constant 16 : index
        %get3A_117 = tpu.vector_load %arg9[%get3A_115, %get3A_116] {strides = array<i32>} : memref<80x128xf32, #tpu.memory_space<vmem>>, vector<16xf32>,
        %mul3A_118 = arith.mulf %get3A_114, %get3A_117 : vector<16xf32>
        %add3A_119 = arith.addf %mul3A_111, %mul3A_118 : vector<16xf32>
        %get3A_120 = arith.index_cast %add3A_104 : i32 to index
        %get3A_121 = arith.constant 32 : index
        %get3A_122 = tpu.vector_load %arg8[%get3A_120, %get3A_121] {strides = array<i32>} : memref<80x128xf32, #tpu.memory_space<vmem>>, vector<16xf32>,
        %get3A_123 = arith.index_cast %add3A_104 : i32 to index
        %get3A_124 = arith.constant 32 : index
        %get3A_125 = tpu.vector_load %arg9[%get3A_123, %get3A_124] {strides = array<i32>} : memref<80x128xf32, #tpu.memory_space<vmem>>, vector<16xf32>,
        %mul3A_126 = arith.mulf %get3A_122, %get3A_125 : vector<16xf32>
        %add3A_127 = arith.addf %add3A_119, %mul3A_126 : vector<16xf32>
        %get3A_128 = arith.index_cast %add3A_104 : i32 to index
        %get3A_129 = arith.constant 48 : index
        %get3A_130 = tpu.vector_load %arg8[%get3A_128, %get3A_129] {strides = array<i32>} : memref<80x128xf32, #tpu.memory_space<vmem>>, vector<16xf32>,
        %get3A_131 = arith.index_cast %add3A_104 : i32 to index
        %get3A_132 = arith.constant 48 : index
        %get3A_133 = tpu.vector_load %arg9[%get3A_131, %get3A_132] {strides = array<i32>} : memref<80x128xf32, #tpu.memory_space<vmem>>, vector<16xf32>,
        %mul3A_134 = arith.mulf %get3A_130, %get3A_133 : vector<16xf32>
        %add3A_135 = arith.addf %add3A_127, %mul3A_134 : vector<16xf32>
        %get3A_136 = arith.index_cast %add3A_104 : i32 to index
        %get3A_137 = arith.constant 64 : index
        %get3A_138 = tpu.vector_load %arg8[%get3A_136, %get3A_137] {strides = array<i32>} : memref<80x128xf32, #tpu.memory_space<vmem>>, vector<16xf32>,
        %get3A_139 = arith.index_cast %add3A_104 : i32 to index
        %get3A_140 = arith.constant 64 : index
        %get3A_141 = tpu.vector_load %arg9[%get3A_139, %get3A_140] {strides = array<i32>} : memref<80x128xf32, #tpu.memory_space<vmem>>, vector<16xf32>,
        %mul3A_142 = arith.mulf %get3A_138, %get3A_141 : vector<16xf32>
        %add3A_143 = arith.addf %add3A_135, %mul3A_142 : vector<16xf32>
        %get3A_144 = arith.index_cast %add3A_104 : i32 to index
        %get3A_145 = arith.constant 80 : index
        %get3A_146 = tpu.vector_load %arg8[%get3A_144, %get3A_145] {strides = array<i32>} : memref<80x128xf32, #tpu.memory_space<vmem>>, vector<16xf32>,
        %get3A_147 = arith.index_cast %add3A_104 : i32 to index
        %get3A_148 = arith.constant 80 : index
        %get3A_149 = tpu.vector_load %arg9[%get3A_147, %get3A_148] {strides = array<i32>} : memref<80x128xf32, #tpu.memory_space<vmem>>, vector<16xf32>,
        %mul3A_150 = arith.mulf %get3A_146, %get3A_149 : vector<16xf32>
        %add3A_151 = arith.addf %add3A_143, %mul3A_150 : vector<16xf32>
        %get3A_152 = arith.index_cast %add3A_104 : i32 to index
        %get3A_153 = arith.constant 96 : index
        %get3A_154 = tpu.vector_load %arg8[%get3A_152, %get3A_153] {strides = array<i32>} : memref<80x128xf32, #tpu.memory_space<vmem>>, vector<16xf32>,
        %get3A_155 = arith.index_cast %add3A_104 : i32 to index
        %get3A_156 = arith.constant 96 : index
        %get3A_157 = tpu.vector_load %arg9[%get3A_155, %get3A_156] {strides = array<i32>} : memref<80x128xf32, #tpu.memory_space<vmem>>, vector<16xf32>,
        %mul3A_158 = arith.mulf %get3A_154, %get3A_157 : vector<16xf32>
        %add3A_159 = arith.addf %add3A_151, %mul3A_158 : vector<16xf32>
        %get3A_160 = arith.index_cast %add3A_104 : i32 to index
        %get3A_161 = arith.constant 112 : index
        %get3A_162 = tpu.vector_load %arg8[%get3A_160, %get3A_161] {strides = array<i32>} : memref<80x128xf32, #tpu.memory_space<vmem>>, vector<16xf32>,
        %get3A_163 = arith.index_cast %add3A_104 : i32 to index
        %get3A_164 = arith.constant 112 : index
        %get3A_165 = tpu.vector_load %arg9[%get3A_163, %get3A_164] {strides = array<i32>} : memref<80x128xf32, #tpu.memory_space<vmem>>, vector<16xf32>,
        %mul3A_166 = arith.mulf %get3A_162, %get3A_165 : vector<16xf32>
        %add3A_167 = arith.addf %add3A_159, %mul3A_166 : vector<16xf32>
        %swap3A_168 = arith.constant 16 : index
        %swap3A_169 = tpu.vector_load %arg10[%swap3A_168] {strides = array<i32>} : memref<256xf32, #tpu.memory_space<vmem>>, vector<16xf32>,
        tpu.vector_store %arg10[%swap3A_168], %add3A_167 {strides = array<i32>} : memref<256xf32, #tpu.memory_space<vmem>>, vector<16xf32>,
        %mul3A_170 = arith.constant 16 : i32
        %mul3A_171 = arith.muli %scan3A_32, %mul3A_170 : i32
        %add3A_172 = arith.constant 2 : i32
        %add3A_173 = arith.addi %mul3A_171, %add3A_172 : i32
        %get3A_174 = arith.index_cast %add3A_173 : i32 to index
        %get3A_175 = arith.constant 0 : index
        %get3A_176 = tpu.vector_load %arg8[%get3A_174, %get3A_175] {strides = array<i32>} : memref<80x128xf32, #tpu.memory_space<vmem>>, vector<16xf32>,
        %get3A_177 = arith.index_cast %add3A_173 : i32 to index
        %get3A_178 = arith.constant 0 : index
        %get3A_179 = tpu.vector_load %arg9[%get3A_177, %get3A_178] {strides = array<i32>} : memref<80x128xf32, #tpu.memory_space<vmem>>, vector<16xf32>,
        %mul3A_180 = arith.mulf %get3A_176, %get3A_179 : vector<16xf32>
        %get3A_181 = arith.index_cast %add3A_173 : i32 to index
        %get3A_182 = arith.constant 16 : index
        %get3A_183 = tpu.vector_load %arg8[%get3A_181, %get3A_182] {strides = array<i32>} : memref<80x128xf32, #tpu.memory_space<vmem>>, vector<16xf32>,
        %get3A_184 = arith.index_cast %add3A_173 : i32 to index
        %get3A_185 = arith.constant 16 : index
        %get3A_186 = tpu.vector_load %arg9[%get3A_184, %get3A_185] {strides = array<i32>} : memref<80x128xf32, #tpu.memory_space<vmem>>, vector<16xf32>,
        %mul3A_187 = arith.mulf %get3A_183, %get3A_186 : vector<16xf32>
        %add3A_188 = arith.addf %mul3A_180, %mul3A_187 : vector<16xf32>
        %get3A_189 = arith.index_cast %add3A_173 : i32 to index
        %get3A_190 = arith.constant 32 : index
        %get3A_191 = tpu.vector_load %arg8[%get3A_189, %get3A_190] {strides = array<i32>} : memref<80x128xf32, #tpu.memory_space<vmem>>, vector<16xf32>,
        %get3A_192 = arith.index_cast %add3A_173 : i32 to index
        %get3A_193 = arith.constant 32 : index
        %get3A_194 = tpu.vector_load %arg9[%get3A_192, %get3A_193] {strides = array<i32>} : memref<80x128xf32, #tpu.memory_space<vmem>>, vector<16xf32>,
        %mul3A_195 = arith.mulf %get3A_191, %get3A_194 : vector<16xf32>
        %add3A_196 = arith.addf %add3A_188, %mul3A_195 : vector<16xf32>
        %get3A_197 = arith.index_cast %add3A_173 : i32 to index
        %get3A_198 = arith.constant 48 : index
        %get3A_199 = tpu.vector_load %arg8[%get3A_197, %get3A_198] {strides = array<i32>} : memref<80x128xf32, #tpu.memory_space<vmem>>, vector<16xf32>,
        %get3A_200 = arith.index_cast %add3A_173 : i32 to index
        %get3A_201 = arith.constant 48 : index
        %get3A_202 = tpu.vector_load %arg9[%get3A_200, %get3A_201] {strides = array<i32>} : memref<80x128xf32, #tpu.memory_space<vmem>>, vector<16xf32>,
        %mul3A_203 = arith.mulf %get3A_199, %get3A_202 : vector<16xf32>
        %add3A_204 = arith.addf %add3A_196, %mul3A_203 : vector<16xf32>
        %get3A_205 = arith.index_cast %add3A_173 : i32 to index
        %get3A_206 = arith.constant 64 : index
        %get3A_207 = tpu.vector_load %arg8[%get3A_205, %get3A_206] {strides = array<i32>} : memref<80x128xf32, #tpu.memory_space<vmem>>, vector<16xf32>,
        %get3A_208 = arith.index_cast %add3A_173 : i32 to index
        %get3A_209 = arith.constant 64 : index
        %get3A_210 = tpu.vector_load %arg9[%get3A_208, %get3A_209] {strides = array<i32>} : memref<80x128xf32, #tpu.memory_space<vmem>>, vector<16xf32>,
        %mul3A_211 = arith.mulf %get3A_207, %get3A_210 : vector<16xf32>
        %add3A_212 = arith.addf %add3A_204, %mul3A_211 : vector<16xf32>
        %get3A_213 = arith.index_cast %add3A_173 : i32 to index
        %get3A_214 = arith.constant 80 : index
        %get3A_215 = tpu.vector_load %arg8[%get3A_213, %get3A_214] {strides = array<i32>} : memref<80x128xf32, #tpu.memory_space<vmem>>, vector<16xf32>,
        %get3A_216 = arith.index_cast %add3A_173 : i32 to index
        %get3A_217 = arith.constant 80 : index
        %get3A_218 = tpu.vector_load %arg9[%get3A_216, %get3A_217] {strides = array<i32>} : memref<80x128xf32, #tpu.memory_space<vmem>>, vector<16xf32>,
        %mul3A_219 = arith.mulf %get3A_215, %get3A_218 : vector<16xf32>
        %add3A_220 = arith.addf %add3A_212, %mul3A_219 : vector<16xf32>
        %get3A_221 = arith.index_cast %add3A_173 : i32 to index
        %get3A_222 = arith.constant 96 : index
        %get3A_223 = tpu.vector_load %arg8[%get3A_221, %get3A_222] {strides = array<i32>} : memref<80x128xf32, #tpu.memory_space<vmem>>, vector<16xf32>,
        %get3A_224 = arith.index_cast %add3A_173 : i32 to index
        %get3A_225 = arith.constant 96 : index
        %get3A_226 = tpu.vector_load %arg9[%get3A_224, %get3A_225] {strides = array<i32>} : memref<80x128xf32, #tpu.memory_space<vmem>>, vector<16xf32>,
        %mul3A_227 = arith.mulf %get3A_223, %get3A_226 : vector<16xf32>
        %add3A_228 = arith.addf %add3A_220, %mul3A_227 : vector<16xf32>
        %get3A_229 = arith.index_cast %add3A_173 : i32 to index
        %get3A_230 = arith.constant 112 : index
        %get3A_231 = tpu.vector_load %arg8[%get3A_229, %get3A_230] {strides = array<i32>} : memref<80x128xf32, #tpu.memory_space<vmem>>, vector<16xf32>,
        %get3A_232 = arith.index_cast %add3A_173 : i32 to index
        %get3A_233 = arith.constant 112 : index
        %get3A_234 = tpu.vector_load %arg9[%get3A_232, %get3A_233] {strides = array<i32>} : memref<80x128xf32, #tpu.memory_space<vmem>>, vector<16xf32>,
        %mul3A_235 = arith.mulf %get3A_231, %get3A_234 : vector<16xf32>
        %add3A_236 = arith.addf %add3A_228, %mul3A_235 : vector<16xf32>
        %swap3A_237 = arith.constant 32 : index
        %swap3A_238 = tpu.vector_load %arg10[%swap3A_237] {strides = array<i32>} : memref<256xf32, #tpu.memory_space<vmem>>, vector<16xf32>,
        tpu.vector_store %arg10[%swap3A_237], %add3A_236 {strides = array<i32>} : memref<256xf32, #tpu.memory_space<vmem>>, vector<16xf32>,
        %mul3A_239 = arith.constant 16 : i32
        %mul3A_240 = arith.muli %scan3A_32, %mul3A_239 : i32
        %add3A_241 = arith.constant 3 : i32
        %add3A_242 = arith.addi %mul3A_240, %add3A_241 : i32
        %get3A_243 = arith.index_cast %add3A_242 : i32 to index
        %get3A_244 = arith.constant 0 : index
        %get3A_245 = tpu.vector_load %arg8[%get3A_243, %get3A_244] {strides = array<i32>} : memref<80x128xf32, #tpu.memory_space<vmem>>, vector<16xf32>,
        %get3A_246 = arith.index_cast %add3A_242 : i32 to index
        %get3A_247 = arith.constant 0 : index
        %get3A_248 = tpu.vector_load %arg9[%get3A_246, %get3A_247] {strides = array<i32>} : memref<80x128xf32, #tpu.memory_space<vmem>>, vector<16xf32>,
        %mul3A_249 = arith.mulf %get3A_245, %get3A_248 : vector<16xf32>
        %get3A_250 = arith.index_cast %add3A_242 : i32 to index
        %get3A_251 = arith.constant 16 : index
        %get3A_252 = tpu.vector_load %arg8[%get3A_250, %get3A_251] {strides = array<i32>} : memref<80x128xf32, #tpu.memory_space<vmem>>, vector<16xf32>,
        %get3A_253 = arith.index_cast %add3A_242 : i32 to index
        %get3A_254 = arith.constant 16 : index
        %get3A_255 = tpu.vector_load %arg9[%get3A_253, %get3A_254] {strides = array<i32>} : memref<80x128xf32, #tpu.memory_space<vmem>>, vector<16xf32>,
        %mul3A_256 = arith.mulf %get3A_252, %get3A_255 : vector<16xf32>
        %add3A_257 = arith.addf %mul3A_249, %mul3A_256 : vector<16xf32>
        %get3A_258 = arith.index_cast %add3A_242 : i32 to index
        %get3A_259 = arith.constant 32 : index
        %get3A_260 = tpu.vector_load %arg8[%get3A_258, %get3A_259] {strides = array<i32>} : memref<80x128xf32, #tpu.memory_space<vmem>>, vector<16xf32>,
        %get3A_261 = arith.index_cast %add3A_242 : i32 to index
        %get3A_262 = arith.constant 32 : index
        %get3A_263 = tpu.vector_load %arg9[%get3A_261, %get3A_262] {strides = array<i32>} : memref<80x128xf32, #tpu.memory_space<vmem>>, vector<16xf32>,
        %mul3A_264 = arith.mulf %get3A_260, %get3A_263 : vector<16xf32>
        %add3A_265 = arith.addf %add3A_257, %mul3A_264 : vector<16xf32>
        %get3A_266 = arith.index_cast %add3A_242 : i32 to index
        %get3A_267 = arith.constant 48 : index
        %get3A_268 = tpu.vector_load %arg8[%get3A_266, %get3A_267] {strides = array<i32>} : memref<80x128xf32, #tpu.memory_space<vmem>>, vector<16xf32>,
        %get3A_269 = arith.index_cast %add3A_242 : i32 to index
        %get3A_270 = arith.constant 48 : index
        %get3A_271 = tpu.vector_load %arg9[%get3A_269, %get3A_270] {strides = array<i32>} : memref<80x128xf32, #tpu.memory_space<vmem>>, vector<16xf32>,
        %mul3A_272 = arith.mulf %get3A_268, %get3A_271 : vector<16xf32>
        %add3A_273 = arith.addf %add3A_265, %mul3A_272 : vector<16xf32>
        %get3A_274 = arith.index_cast %add3A_242 : i32 to index
        %get3A_275 = arith.constant 64 : index
        %get3A_276 = tpu.vector_load %arg8[%get3A_274, %get3A_275] {strides = array<i32>} : memref<80x128xf32, #tpu.memory_space<vmem>>, vector<16xf32>,
        %get3A_277 = arith.index_cast %add3A_242 : i32 to index
        %get3A_278 = arith.constant 64 : index
        %get3A_279 = tpu.vector_load %arg9[%get3A_277, %get3A_278] {strides = array<i32>} : memref<80x128xf32, #tpu.memory_space<vmem>>, vector<16xf32>,
        %mul3A_280 = arith.mulf %get3A_276, %get3A_279 : vector<16xf32>
        %add3A_281 = arith.addf %add3A_273, %mul3A_280 : vector<16xf32>
        %get3A_282 = arith.index_cast %add3A_242 : i32 to index
        %get3A_283 = arith.constant 80 : index
        %get3A_284 = tpu.vector_load %arg8[%get3A_282, %get3A_283] {strides = array<i32>} : memref<80x128xf32, #tpu.memory_space<vmem>>, vector<16xf32>,
        %get3A_285 = arith.index_cast %add3A_242 : i32 to index
        %get3A_286 = arith.constant 80 : index
        %get3A_287 = tpu.vector_load %arg9[%get3A_285, %get3A_286] {strides = array<i32>} : memref<80x128xf32, #tpu.memory_space<vmem>>, vector<16xf32>,
        %mul3A_288 = arith.mulf %get3A_284, %get3A_287 : vector<16xf32>
        %add3A_289 = arith.addf %add3A_281, %mul3A_288 : vector<16xf32>
        %get3A_290 = arith.index_cast %add3A_242 : i32 to index
        %get3A_291 = arith.constant 96 : index
        %get3A_292 = tpu.vector_load %arg8[%get3A_290, %get3A_291] {strides = array<i32>} : memref<80x128xf32, #tpu.memory_space<vmem>>, vector<16xf32>,
        %get3A_293 = arith.index_cast %add3A_242 : i32 to index
        %get3A_294 = arith.constant 96 : index
        %get3A_295 = tpu.vector_load %arg9[%get3A_293, %get3A_294] {strides = array<i32>} : memref<80x128xf32, #tpu.memory_space<vmem>>, vector<16xf32>,
        %mul3A_296 = arith.mulf %get3A_292, %get3A_295 : vector<16xf32>
        %add3A_297 = arith.addf %add3A_289, %mul3A_296 : vector<16xf32>
        %get3A_298 = arith.index_cast %add3A_242 : i32 to index
        %get3A_299 = arith.constant 112 : index
        %get3A_300 = tpu.vector_load %arg8[%get3A_298, %get3A_299] {strides = array<i32>} : memref<80x128xf32, #tpu.memory_space<vmem>>, vector<16xf32>,
        %get3A_301 = arith.index_cast %add3A_242 : i32 to index
        %get3A_302 = arith.constant 112 : index
        %get3A_303 = tpu.vector_load %arg9[%get3A_301, %get3A_302] {strides = array<i32>} : memref<80x128xf32, #tpu.memory_space<vmem>>, vector<16xf32>,
        %mul3A_304 = arith.mulf %get3A_300, %get3A_303 : vector<16xf32>
        %add3A_305 = arith.addf %add3A_297, %mul3A_304 : vector<16xf32>
        %swap3A_306 = arith.constant 48 : index
        %swap3A_307 = tpu.vector_load %arg10[%swap3A_306] {strides = array<i32>} : memref<256xf32, #tpu.memory_space<vmem>>, vector<16xf32>,
        tpu.vector_store %arg10[%swap3A_306], %add3A_305 {strides = array<i32>} : memref<256xf32, #tpu.memory_space<vmem>>, vector<16xf32>,
        %mul3A_308 = arith.constant 16 : i32
        %mul3A_309 = arith.muli %scan3A_32, %mul3A_308 : i32
        %add3A_310 = arith.constant 4 : i32
        %add3A_311 = arith.addi %mul3A_309, %add3A_310 : i32
        %get3A_312 = arith.index_cast %add3A_311 : i32 to index
        %get3A_313 = arith.constant 0 : index
        %get3A_314 = tpu.vector_load %arg8[%get3A_312, %get3A_313] {strides = array<i32>} : memref<80x128xf32, #tpu.memory_space<vmem>>, vector<16xf32>,
        %get3A_315 = arith.index_cast %add3A_311 : i32 to index
        %get3A_316 = arith.constant 0 : index
        %get3A_317 = tpu.vector_load %arg9[%get3A_315, %get3A_316] {strides = array<i32>} : memref<80x128xf32, #tpu.memory_space<vmem>>, vector<16xf32>,
        %mul3A_318 = arith.mulf %get3A_314, %get3A_317 : vector<16xf32>
        %get3A_319 = arith.index_cast %add3A_311 : i32 to index
        %get3A_320 = arith.constant 16 : index
        %get3A_321 = tpu.vector_load %arg8[%get3A_319, %get3A_320] {strides = array<i32>} : memref<80x128xf32, #tpu.memory_space<vmem>>, vector<16xf32>,
        %get3A_322 = arith.index_cast %add3A_311 : i32 to index
        %get3A_323 = arith.constant 16 : index
        %get3A_324 = tpu.vector_load %arg9[%get3A_322, %get3A_323] {strides = array<i32>} : memref<80x128xf32, #tpu.memory_space<vmem>>, vector<16xf32>,
        %mul3A_325 = arith.mulf %get3A_321, %get3A_324 : vector<16xf32>
        %add3A_326 = arith.addf %mul3A_318, %mul3A_325 : vector<16xf32>
        %get3A_327 = arith.index_cast %add3A_311 : i32 to index
        %get3A_328 = arith.constant 32 : index
        %get3A_329 = tpu.vector_load %arg8[%get3A_327, %get3A_328] {strides = array<i32>} : memref<80x128xf32, #tpu.memory_space<vmem>>, vector<16xf32>,
        %get3A_330 = arith.index_cast %add3A_311 : i32 to index
        %get3A_331 = arith.constant 32 : index
        %get3A_332 = tpu.vector_load %arg9[%get3A_330, %get3A_331] {strides = array<i32>} : memref<80x128xf32, #tpu.memory_space<vmem>>, vector<16xf32>,
        %mul3A_333 = arith.mulf %get3A_329, %get3A_332 : vector<16xf32>
        %add3A_334 = arith.addf %add3A_326, %mul3A_333 : vector<16xf32>
        %get3A_335 = arith.index_cast %add3A_311 : i32 to index
        %get3A_336 = arith.constant 48 : index
        %get3A_337 = tpu.vector_load %arg8[%get3A_335, %get3A_336] {strides = array<i32>} : memref<80x128xf32, #tpu.memory_space<vmem>>, vector<16xf32>,
        %get3A_338 = arith.index_cast %add3A_311 : i32 to index
        %get3A_339 = arith.constant 48 : index
        %get3A_340 = tpu.vector_load %arg9[%get3A_338, %get3A_339] {strides = array<i32>} : memref<80x128xf32, #tpu.memory_space<vmem>>, vector<16xf32>,
        %mul3A_341 = arith.mulf %get3A_337, %get3A_340 : vector<16xf32>
        %add3A_342 = arith.addf %add3A_334, %mul3A_341 : vector<16xf32>
        %get3A_343 = arith.index_cast %add3A_311 : i32 to index
        %get3A_344 = arith.constant 64 : index
        %get3A_345 = tpu.vector_load %arg8[%get3A_343, %get3A_344] {strides = array<i32>} : memref<80x128xf32, #tpu.memory_space<vmem>>, vector<16xf32>,
        %get3A_346 = arith.index_cast %add3A_311 : i32 to index
        %get3A_347 = arith.constant 64 : index
        %get3A_348 = tpu.vector_load %arg9[%get3A_346, %get3A_347] {strides = array<i32>} : memref<80x128xf32, #tpu.memory_space<vmem>>, vector<16xf32>,
        %mul3A_349 = arith.mulf %get3A_345, %get3A_348 : vector<16xf32>
        %add3A_350 = arith.addf %add3A_342, %mul3A_349 : vector<16xf32>
        %get3A_351 = arith.index_cast %add3A_311 : i32 to index
        %get3A_352 = arith.constant 80 : index
        %get3A_353 = tpu.vector_load %arg8[%get3A_351, %get3A_352] {strides = array<i32>} : memref<80x128xf32, #tpu.memory_space<vmem>>, vector<16xf32>,
        %get3A_354 = arith.index_cast %add3A_311 : i32 to index
        %get3A_355 = arith.constant 80 : index
        %get3A_356 = tpu.vector_load %arg9[%get3A_354, %get3A_355] {strides = array<i32>} : memref<80x128xf32, #tpu.memory_space<vmem>>, vector<16xf32>,
        %mul3A_357 = arith.mulf %get3A_353, %get3A_356 : vector<16xf32>
        %add3A_358 = arith.addf %add3A_350, %mul3A_357 : vector<16xf32>
        %get3A_359 = arith.index_cast %add3A_311 : i32 to index
        %get3A_360 = arith.constant 96 : index
        %get3A_361 = tpu.vector_load %arg8[%get3A_359, %get3A_360] {strides = array<i32>} : memref<80x128xf32, #tpu.memory_space<vmem>>, vector<16xf32>,
        %get3A_362 = arith.index_cast %add3A_311 : i32 to index
        %get3A_363 = arith.constant 96 : index
        %get3A_364 = tpu.vector_load %arg9[%get3A_362, %get3A_363] {strides = array<i32>} : memref<80x128xf32, #tpu.memory_space<vmem>>, vector<16xf32>,
        %mul3A_365 = arith.mulf %get3A_361, %get3A_364 : vector<16xf32>
        %add3A_366 = arith.addf %add3A_358, %mul3A_365 : vector<16xf32>
        %get3A_367 = arith.index_cast %add3A_311 : i32 to index
        %get3A_368 = arith.constant 112 : index
        %get3A_369 = tpu.vector_load %arg8[%get3A_367, %get3A_368] {strides = array<i32>} : memref<80x128xf32, #tpu.memory_space<vmem>>, vector<16xf32>,
        %get3A_370 = arith.index_cast %add3A_311 : i32 to index
        %get3A_371 = arith.constant 112 : index
        %get3A_372 = tpu.vector_load %arg9[%get3A_370, %get3A_371] {strides = array<i32>} : memref<80x128xf32, #tpu.memory_space<vmem>>, vector<16xf32>,
        %mul3A_373 = arith.mulf %get3A_369, %get3A_372 : vector<16xf32>
        %add3A_374 = arith.addf %add3A_366, %mul3A_373 : vector<16xf32>
        %swap3A_375 = arith.constant 64 : index
        %swap3A_376 = tpu.vector_load %arg10[%swap3A_375] {strides = array<i32>} : memref<256xf32, #tpu.memory_space<vmem>>, vector<16xf32>,
        tpu.vector_store %arg10[%swap3A_375], %add3A_374 {strides = array<i32>} : memref<256xf32, #tpu.memory_space<vmem>>, vector<16xf32>,
        %mul3A_377 = arith.constant 16 : i32
        %mul3A_378 = arith.muli %scan3A_32, %mul3A_377 : i32
        %add3A_379 = arith.constant 5 : i32
        %add3A_380 = arith.addi %mul3A_378, %add3A_379 : i32
        %get3A_381 = arith.index_cast %add3A_380 : i32 to index
        %get3A_382 = arith.constant 0 : index
        %get3A_383 = tpu.vector_load %arg8[%get3A_381, %get3A_382] {strides = array<i32>} : memref<80x128xf32, #tpu.memory_space<vmem>>, vector<16xf32>,
        %get3A_384 = arith.index_cast %add3A_380 : i32 to index
        %get3A_385 = arith.constant 0 : index
        %get3A_386 = tpu.vector_load %arg9[%get3A_384, %get3A_385] {strides = array<i32>} : memref<80x128xf32, #tpu.memory_space<vmem>>, vector<16xf32>,
        %mul3A_387 = arith.mulf %get3A_383, %get3A_386 : vector<16xf32>
        %get3A_388 = arith.index_cast %add3A_380 : i32 to index
        %get3A_389 = arith.constant 16 : index
        %get3A_390 = tpu.vector_load %arg8[%get3A_388, %get3A_389] {strides = array<i32>} : memref<80x128xf32, #tpu.memory_space<vmem>>, vector<16xf32>,
        %get3A_391 = arith.index_cast %add3A_380 : i32 to index
        %get3A_392 = arith.constant 16 : index
        %get3A_393 = tpu.vector_load %arg9[%get3A_391, %get3A_392] {strides = array<i32>} : memref<80x128xf32, #tpu.memory_space<vmem>>, vector<16xf32>,
        %mul3A_394 = arith.mulf %get3A_390, %get3A_393 : vector<16xf32>
        %add3A_395 = arith.addf %mul3A_387, %mul3A_394 : vector<16xf32>
        %get3A_396 = arith.index_cast %add3A_380 : i32 to index
        %get3A_397 = arith.constant 32 : index
        %get3A_398 = tpu.vector_load %arg8[%get3A_396, %get3A_397] {strides = array<i32>} : memref<80x128xf32, #tpu.memory_space<vmem>>, vector<16xf32>,
        %get3A_399 = arith.index_cast %add3A_380 : i32 to index
        %get3A_400 = arith.constant 32 : index
        %get3A_401 = tpu.vector_load %arg9[%get3A_399, %get3A_400] {strides = array<i32>} : memref<80x128xf32, #tpu.memory_space<vmem>>, vector<16xf32>,
        %mul3A_402 = arith.mulf %get3A_398, %get3A_401 : vector<16xf32>
        %add3A_403 = arith.addf %add3A_395, %mul3A_402 : vector<16xf32>
        %get3A_404 = arith.index_cast %add3A_380 : i32 to index
        %get3A_405 = arith.constant 48 : index
        %get3A_406 = tpu.vector_load %arg8[%get3A_404, %get3A_405] {strides = array<i32>} : memref<80x128xf32, #tpu.memory_space<vmem>>, vector<16xf32>,
        %get3A_407 = arith.index_cast %add3A_380 : i32 to index
        %get3A_408 = arith.constant 48 : index
        %get3A_409 = tpu.vector_load %arg9[%get3A_407, %get3A_408] {strides = array<i32>} : memref<80x128xf32, #tpu.memory_space<vmem>>, vector<16xf32>,
        %mul3A_410 = arith.mulf %get3A_406, %get3A_409 : vector<16xf32>
        %add3A_411 = arith.addf %add3A_403, %mul3A_410 : vector<16xf32>
        %get3A_412 = arith.index_cast %add3A_380 : i32 to index
        %get3A_413 = arith.constant 64 : index
        %get3A_414 = tpu.vector_load %arg8[%get3A_412, %get3A_413] {strides = array<i32>} : memref<80x128xf32, #tpu.memory_space<vmem>>, vector<16xf32>,
        %get3A_415 = arith.index_cast %add3A_380 : i32 to index
        %get3A_416 = arith.constant 64 : index
        %get3A_417 = tpu.vector_load %arg9[%get3A_415, %get3A_416] {strides = array<i32>} : memref<80x128xf32, #tpu.memory_space<vmem>>, vector<16xf32>,
        %mul3A_418 = arith.mulf %get3A_414, %get3A_417 : vector<16xf32>
        %add3A_419 = arith.addf %add3A_411, %mul3A_418 : vector<16xf32>
        %get3A_420 = arith.index_cast %add3A_380 : i32 to index
        %get3A_421 = arith.constant 80 : index
        %get3A_422 = tpu.vector_load %arg8[%get3A_420, %get3A_421] {strides = array<i32>} : memref<80x128xf32, #tpu.memory_space<vmem>>, vector<16xf32>,
        %get3A_423 = arith.index_cast %add3A_380 : i32 to index
        %get3A_424 = arith.constant 80 : index
        %get3A_425 = tpu.vector_load %arg9[%get3A_423, %get3A_424] {strides = array<i32>} : memref<80x128xf32, #tpu.memory_space<vmem>>, vector<16xf32>,
        %mul3A_426 = arith.mulf %get3A_422, %get3A_425 : vector<16xf32>
        %add3A_427 = arith.addf %add3A_419, %mul3A_426 : vector<16xf32>
        %get3A_428 = arith.index_cast %add3A_380 : i32 to index
        %get3A_429 = arith.constant 96 : index
        %get3A_430 = tpu.vector_load %arg8[%get3A_428, %get3A_429] {strides = array<i32>} : memref<80x128xf32, #tpu.memory_space<vmem>>, vector<16xf32>,
        %get3A_431 = arith.index_cast %add3A_380 : i32 to index
        %get3A_432 = arith.constant 96 : index
        %get3A_433 = tpu.vector_load %arg9[%get3A_431, %get3A_432] {strides = array<i32>} : memref<80x128xf32, #tpu.memory_space<vmem>>, vector<16xf32>,
        %mul3A_434 = arith.mulf %get3A_430, %get3A_433 : vector<16xf32>
        %add3A_435 = arith.addf %add3A_427, %mul3A_434 : vector<16xf32>
        %get3A_436 = arith.index_cast %add3A_380 : i32 to index
        %get3A_437 = arith.constant 112 : index
        %get3A_438 = tpu.vector_load %arg8[%get3A_436, %get3A_437] {strides = array<i32>} : memref<80x128xf32, #tpu.memory_space<vmem>>, vector<16xf32>,
        %get3A_439 = arith.index_cast %add3A_380 : i32 to index
        %get3A_440 = arith.constant 112 : index
        %get3A_441 = tpu.vector_load %arg9[%get3A_439, %get3A_440] {strides = array<i32>} : memref<80x128xf32, #tpu.memory_space<vmem>>, vector<16xf32>,
        %mul3A_442 = arith.mulf %get3A_438, %get3A_441 : vector<16xf32>
        %add3A_443 = arith.addf %add3A_435, %mul3A_442 : vector<16xf32>
        %swap3A_444 = arith.constant 80 : index
        %swap3A_445 = tpu.vector_load %arg10[%swap3A_444] {strides = array<i32>} : memref<256xf32, #tpu.memory_space<vmem>>, vector<16xf32>,
        tpu.vector_store %arg10[%swap3A_444], %add3A_443 {strides = array<i32>} : memref<256xf32, #tpu.memory_space<vmem>>, vector<16xf32>,
        %mul3A_446 = arith.constant 16 : i32
        %mul3A_447 = arith.muli %scan3A_32, %mul3A_446 : i32
        %add3A_448 = arith.constant 6 : i32
        %add3A_449 = arith.addi %mul3A_447, %add3A_448 : i32
        %get3A_450 = arith.index_cast %add3A_449 : i32 to index
        %get3A_451 = arith.constant 0 : index
        %get3A_452 = tpu.vector_load %arg8[%get3A_450, %get3A_451] {strides = array<i32>} : memref<80x128xf32, #tpu.memory_space<vmem>>, vector<16xf32>,
        %get3A_453 = arith.index_cast %add3A_449 : i32 to index
        %get3A_454 = arith.constant 0 : index
        %get3A_455 = tpu.vector_load %arg9[%get3A_453, %get3A_454] {strides = array<i32>} : memref<80x128xf32, #tpu.memory_space<vmem>>, vector<16xf32>,
        %mul3A_456 = arith.mulf %get3A_452, %get3A_455 : vector<16xf32>
        %get3A_457 = arith.index_cast %add3A_449 : i32 to index
        %get3A_458 = arith.constant 16 : index
        %get3A_459 = tpu.vector_load %arg8[%get3A_457, %get3A_458] {strides = array<i32>} : memref<80x128xf32, #tpu.memory_space<vmem>>, vector<16xf32>,
        %get3A_460 = arith.index_cast %add3A_449 : i32 to index
        %get3A_461 = arith.constant 16 : index
        %get3A_462 = tpu.vector_load %arg9[%get3A_460, %get3A_461] {strides = array<i32>} : memref<80x128xf32, #tpu.memory_space<vmem>>, vector<16xf32>,
        %mul3A_463 = arith.mulf %get3A_459, %get3A_462 : vector<16xf32>
        %add3A_464 = arith.addf %mul3A_456, %mul3A_463 : vector<16xf32>
        %get3A_465 = arith.index_cast %add3A_449 : i32 to index
        %get3A_466 = arith.constant 32 : index
        %get3A_467 = tpu.vector_load %arg8[%get3A_465, %get3A_466] {strides = array<i32>} : memref<80x128xf32, #tpu.memory_space<vmem>>, vector<16xf32>,
        %get3A_468 = arith.index_cast %add3A_449 : i32 to index
        %get3A_469 = arith.constant 32 : index
        %get3A_470 = tpu.vector_load %arg9[%get3A_468, %get3A_469] {strides = array<i32>} : memref<80x128xf32, #tpu.memory_space<vmem>>, vector<16xf32>,
        %mul3A_471 = arith.mulf %get3A_467, %get3A_470 : vector<16xf32>
        %add3A_472 = arith.addf %add3A_464, %mul3A_471 : vector<16xf32>
        %get3A_473 = arith.index_cast %add3A_449 : i32 to index
        %get3A_474 = arith.constant 48 : index
        %get3A_475 = tpu.vector_load %arg8[%get3A_473, %get3A_474] {strides = array<i32>} : memref<80x128xf32, #tpu.memory_space<vmem>>, vector<16xf32>,
        %get3A_476 = arith.index_cast %add3A_449 : i32 to index
        %get3A_477 = arith.constant 48 : index
        %get3A_478 = tpu.vector_load %arg9[%get3A_476, %get3A_477] {strides = array<i32>} : memref<80x128xf32, #tpu.memory_space<vmem>>, vector<16xf32>,
        %mul3A_479 = arith.mulf %get3A_475, %get3A_478 : vector<16xf32>
        %add3A_480 = arith.addf %add3A_472, %mul3A_479 : vector<16xf32>
        %get3A_481 = arith.index_cast %add3A_449 : i32 to index
        %get3A_482 = arith.constant 64 : index
        %get3A_483 = tpu.vector_load %arg8[%get3A_481, %get3A_482] {strides = array<i32>} : memref<80x128xf32, #tpu.memory_space<vmem>>, vector<16xf32>,
        %get3A_484 = arith.index_cast %add3A_449 : i32 to index
        %get3A_485 = arith.constant 64 : index
        %get3A_486 = tpu.vector_load %arg9[%get3A_484, %get3A_485] {strides = array<i32>} : memref<80x128xf32, #tpu.memory_space<vmem>>, vector<16xf32>,
        %mul3A_487 = arith.mulf %get3A_483, %get3A_486 : vector<16xf32>
        %add3A_488 = arith.addf %add3A_480, %mul3A_487 : vector<16xf32>
        %get3A_489 = arith.index_cast %add3A_449 : i32 to index
        %get3A_490 = arith.constant 80 : index
        %get3A_491 = tpu.vector_load %arg8[%get3A_489, %get3A_490] {strides = array<i32>} : memref<80x128xf32, #tpu.memory_space<vmem>>, vector<16xf32>,
        %get3A_492 = arith.index_cast %add3A_449 : i32 to index
        %get3A_493 = arith.constant 80 : index
        %get3A_494 = tpu.vector_load %arg9[%get3A_492, %get3A_493] {strides = array<i32>} : memref<80x128xf32, #tpu.memory_space<vmem>>, vector<16xf32>,
        %mul3A_495 = arith.mulf %get3A_491, %get3A_494 : vector<16xf32>
        %add3A_496 = arith.addf %add3A_488, %mul3A_495 : vector<16xf32>
        %get3A_497 = arith.index_cast %add3A_449 : i32 to index
        %get3A_498 = arith.constant 96 : index
        %get3A_499 = tpu.vector_load %arg8[%get3A_497, %get3A_498] {strides = array<i32>} : memref<80x128xf32, #tpu.memory_space<vmem>>, vector<16xf32>,
        %get3A_500 = arith.index_cast %add3A_449 : i32 to index
        %get3A_501 = arith.constant 96 : index
        %get3A_502 = tpu.vector_load %arg9[%get3A_500, %get3A_501] {strides = array<i32>} : memref<80x128xf32, #tpu.memory_space<vmem>>, vector<16xf32>,
        %mul3A_503 = arith.mulf %get3A_499, %get3A_502 : vector<16xf32>
        %add3A_504 = arith.addf %add3A_496, %mul3A_503 : vector<16xf32>
        %get3A_505 = arith.index_cast %add3A_449 : i32 to index
        %get3A_506 = arith.constant 112 : index
        %get3A_507 = tpu.vector_load %arg8[%get3A_505, %get3A_506] {strides = array<i32>} : memref<80x128xf32, #tpu.memory_space<vmem>>, vector<16xf32>,
        %get3A_508 = arith.index_cast %add3A_449 : i32 to index
        %get3A_509 = arith.constant 112 : index
        %get3A_510 = tpu.vector_load %arg9[%get3A_508, %get3A_509] {strides = array<i32>} : memref<80x128xf32, #tpu.memory_space<vmem>>, vector<16xf32>,
        %mul3A_511 = arith.mulf %get3A_507, %get3A_510 : vector<16xf32>
        %add3A_512 = arith.addf %add3A_504, %mul3A_511 : vector<16xf32>
        %swap3A_513 = arith.constant 96 : index
        %swap3A_514 = tpu.vector_load %arg10[%swap3A_513] {strides = array<i32>} : memref<256xf32, #tpu.memory_space<vmem>>, vector<16xf32>,
        tpu.vector_store %arg10[%swap3A_513], %add3A_512 {strides = array<i32>} : memref<256xf32, #tpu.memory_space<vmem>>, vector<16xf32>,
        %mul3A_515 = arith.constant 16 : i32
        %mul3A_516 = arith.muli %scan3A_32, %mul3A_515 : i32
        %add3A_517 = arith.constant 7 : i32
        %add3A_518 = arith.addi %mul3A_516, %add3A_517 : i32
        %get3A_519 = arith.index_cast %add3A_518 : i32 to index
        %get3A_520 = arith.constant 0 : index
        %get3A_521 = tpu.vector_load %arg8[%get3A_519, %get3A_520] {strides = array<i32>} : memref<80x128xf32, #tpu.memory_space<vmem>>, vector<16xf32>,
        %get3A_522 = arith.index_cast %add3A_518 : i32 to index
        %get3A_523 = arith.constant 0 : index
        %get3A_524 = tpu.vector_load %arg9[%get3A_522, %get3A_523] {strides = array<i32>} : memref<80x128xf32, #tpu.memory_space<vmem>>, vector<16xf32>,
        %mul3A_525 = arith.mulf %get3A_521, %get3A_524 : vector<16xf32>
        %get3A_526 = arith.index_cast %add3A_518 : i32 to index
        %get3A_527 = arith.constant 16 : index
        %get3A_528 = tpu.vector_load %arg8[%get3A_526, %get3A_527] {strides = array<i32>} : memref<80x128xf32, #tpu.memory_space<vmem>>, vector<16xf32>,
        %get3A_529 = arith.index_cast %add3A_518 : i32 to index
        %get3A_530 = arith.constant 16 : index
        %get3A_531 = tpu.vector_load %arg9[%get3A_529, %get3A_530] {strides = array<i32>} : memref<80x128xf32, #tpu.memory_space<vmem>>, vector<16xf32>,
        %mul3A_532 = arith.mulf %get3A_528, %get3A_531 : vector<16xf32>
        %add3A_533 = arith.addf %mul3A_525, %mul3A_532 : vector<16xf32>
        %get3A_534 = arith.index_cast %add3A_518 : i32 to index
        %get3A_535 = arith.constant 32 : index
        %get3A_536 = tpu.vector_load %arg8[%get3A_534, %get3A_535] {strides = array<i32>} : memref<80x128xf32, #tpu.memory_space<vmem>>, vector<16xf32>,
        %get3A_537 = arith.index_cast %add3A_518 : i32 to index
        %get3A_538 = arith.constant 32 : index
        %get3A_539 = tpu.vector_load %arg9[%get3A_537, %get3A_538] {strides = array<i32>} : memref<80x128xf32, #tpu.memory_space<vmem>>, vector<16xf32>,
        %mul3A_540 = arith.mulf %get3A_536, %get3A_539 : vector<16xf32>
        %add3A_541 = arith.addf %add3A_533, %mul3A_540 : vector<16xf32>
        %get3A_542 = arith.index_cast %add3A_518 : i32 to index
        %get3A_543 = arith.constant 48 : index
        %get3A_544 = tpu.vector_load %arg8[%get3A_542, %get3A_543] {strides = array<i32>} : memref<80x128xf32, #tpu.memory_space<vmem>>, vector<16xf32>,
        %get3A_545 = arith.index_cast %add3A_518 : i32 to index
        %get3A_546 = arith.constant 48 : index
        %get3A_547 = tpu.vector_load %arg9[%get3A_545, %get3A_546] {strides = array<i32>} : memref<80x128xf32, #tpu.memory_space<vmem>>, vector<16xf32>,
        %mul3A_548 = arith.mulf %get3A_544, %get3A_547 : vector<16xf32>
        %add3A_549 = arith.addf %add3A_541, %mul3A_548 : vector<16xf32>
        %get3A_550 = arith.index_cast %add3A_518 : i32 to index
        %get3A_551 = arith.constant 64 : index
        %get3A_552 = tpu.vector_load %arg8[%get3A_550, %get3A_551] {strides = array<i32>} : memref<80x128xf32, #tpu.memory_space<vmem>>, vector<16xf32>,
        %get3A_553 = arith.index_cast %add3A_518 : i32 to index
        %get3A_554 = arith.constant 64 : index
        %get3A_555 = tpu.vector_load %arg9[%get3A_553, %get3A_554] {strides = array<i32>} : memref<80x128xf32, #tpu.memory_space<vmem>>, vector<16xf32>,
        %mul3A_556 = arith.mulf %get3A_552, %get3A_555 : vector<16xf32>
        %add3A_557 = arith.addf %add3A_549, %mul3A_556 : vector<16xf32>
        %get3A_558 = arith.index_cast %add3A_518 : i32 to index
        %get3A_559 = arith.constant 80 : index
        %get3A_560 = tpu.vector_load %arg8[%get3A_558, %get3A_559] {strides = array<i32>} : memref<80x128xf32, #tpu.memory_space<vmem>>, vector<16xf32>,
        %get3A_561 = arith.index_cast %add3A_518 : i32 to index
        %get3A_562 = arith.constant 80 : index
        %get3A_563 = tpu.vector_load %arg9[%get3A_561, %get3A_562] {strides = array<i32>} : memref<80x128xf32, #tpu.memory_space<vmem>>, vector<16xf32>,
        %mul3A_564 = arith.mulf %get3A_560, %get3A_563 : vector<16xf32>
        %add3A_565 = arith.addf %add3A_557, %mul3A_564 : vector<16xf32>
        %get3A_566 = arith.index_cast %add3A_518 : i32 to index
        %get3A_567 = arith.constant 96 : index
        %get3A_568 = tpu.vector_load %arg8[%get3A_566, %get3A_567] {strides = array<i32>} : memref<80x128xf32, #tpu.memory_space<vmem>>, vector<16xf32>,
        %get3A_569 = arith.index_cast %add3A_518 : i32 to index
        %get3A_570 = arith.constant 96 : index
        %get3A_571 = tpu.vector_load %arg9[%get3A_569, %get3A_570] {strides = array<i32>} : memref<80x128xf32, #tpu.memory_space<vmem>>, vector<16xf32>,
        %mul3A_572 = arith.mulf %get3A_568, %get3A_571 : vector<16xf32>
        %add3A_573 = arith.addf %add3A_565, %mul3A_572 : vector<16xf32>
        %get3A_574 = arith.index_cast %add3A_518 : i32 to index
        %get3A_575 = arith.constant 112 : index
        %get3A_576 = tpu.vector_load %arg8[%get3A_574, %get3A_575] {strides = array<i32>} : memref<80x128xf32, #tpu.memory_space<vmem>>, vector<16xf32>,
        %get3A_577 = arith.index_cast %add3A_518 : i32 to index
        %get3A_578 = arith.constant 112 : index
        %get3A_579 = tpu.vector_load %arg9[%get3A_577, %get3A_578] {strides = array<i32>} : memref<80x128xf32, #tpu.memory_space<vmem>>, vector<16xf32>,
        %mul3A_580 = arith.mulf %get3A_576, %get3A_579 : vector<16xf32>
        %add3A_581 = arith.addf %add3A_573, %mul3A_580 : vector<16xf32>
        %swap3A_582 = arith.constant 112 : index
        %swap3A_583 = tpu.vector_load %arg10[%swap3A_582] {strides = array<i32>} : memref<256xf32, #tpu.memory_space<vmem>>, vector<16xf32>,
        tpu.vector_store %arg10[%swap3A_582], %add3A_581 {strides = array<i32>} : memref<256xf32, #tpu.memory_space<vmem>>, vector<16xf32>,
        %mul3A_584 = arith.constant 16 : i32
        %mul3A_585 = arith.muli %scan3A_32, %mul3A_584 : i32
        %add3A_586 = arith.constant 8 : i32
        %add3A_587 = arith.addi %mul3A_585, %add3A_586 : i32
        %get3A_588 = arith.index_cast %add3A_587 : i32 to index
        %get3A_589 = arith.constant 0 : index
        %get3A_590 = tpu.vector_load %arg8[%get3A_588, %get3A_589] {strides = array<i32>} : memref<80x128xf32, #tpu.memory_space<vmem>>, vector<16xf32>,
        %get3A_591 = arith.index_cast %add3A_587 : i32 to index
        %get3A_592 = arith.constant 0 : index
        %get3A_593 = tpu.vector_load %arg9[%get3A_591, %get3A_592] {strides = array<i32>} : memref<80x128xf32, #tpu.memory_space<vmem>>, vector<16xf32>,
        %mul3A_594 = arith.mulf %get3A_590, %get3A_593 : vector<16xf32>
        %get3A_595 = arith.index_cast %add3A_587 : i32 to index
        %get3A_596 = arith.constant 16 : index
        %get3A_597 = tpu.vector_load %arg8[%get3A_595, %get3A_596] {strides = array<i32>} : memref<80x128xf32, #tpu.memory_space<vmem>>, vector<16xf32>,
        %get3A_598 = arith.index_cast %add3A_587 : i32 to index
        %get3A_599 = arith.constant 16 : index
        %get3A_600 = tpu.vector_load %arg9[%get3A_598, %get3A_599] {strides = array<i32>} : memref<80x128xf32, #tpu.memory_space<vmem>>, vector<16xf32>,
        %mul3A_601 = arith.mulf %get3A_597, %get3A_600 : vector<16xf32>
        %add3A_602 = arith.addf %mul3A_594, %mul3A_601 : vector<16xf32>
        %get3A_603 = arith.index_cast %add3A_587 : i32 to index
        %get3A_604 = arith.constant 32 : index
        %get3A_605 = tpu.vector_load %arg8[%get3A_603, %get3A_604] {strides = array<i32>} : memref<80x128xf32, #tpu.memory_space<vmem>>, vector<16xf32>,
        %get3A_606 = arith.index_cast %add3A_587 : i32 to index
        %get3A_607 = arith.constant 32 : index
        %get3A_608 = tpu.vector_load %arg9[%get3A_606, %get3A_607] {strides = array<i32>} : memref<80x128xf32, #tpu.memory_space<vmem>>, vector<16xf32>,
        %mul3A_609 = arith.mulf %get3A_605, %get3A_608 : vector<16xf32>
        %add3A_610 = arith.addf %add3A_602, %mul3A_609 : vector<16xf32>
        %get3A_611 = arith.index_cast %add3A_587 : i32 to index
        %get3A_612 = arith.constant 48 : index
        %get3A_613 = tpu.vector_load %arg8[%get3A_611, %get3A_612] {strides = array<i32>} : memref<80x128xf32, #tpu.memory_space<vmem>>, vector<16xf32>,
        %get3A_614 = arith.index_cast %add3A_587 : i32 to index
        %get3A_615 = arith.constant 48 : index
        %get3A_616 = tpu.vector_load %arg9[%get3A_614, %get3A_615] {strides = array<i32>} : memref<80x128xf32, #tpu.memory_space<vmem>>, vector<16xf32>,
        %mul3A_617 = arith.mulf %get3A_613, %get3A_616 : vector<16xf32>
        %add3A_618 = arith.addf %add3A_610, %mul3A_617 : vector<16xf32>
        %get3A_619 = arith.index_cast %add3A_587 : i32 to index
        %get3A_620 = arith.constant 64 : index
        %get3A_621 = tpu.vector_load %arg8[%get3A_619, %get3A_620] {strides = array<i32>} : memref<80x128xf32, #tpu.memory_space<vmem>>, vector<16xf32>,
        %get3A_622 = arith.index_cast %add3A_587 : i32 to index
        %get3A_623 = arith.constant 64 : index
        %get3A_624 = tpu.vector_load %arg9[%get3A_622, %get3A_623] {strides = array<i32>} : memref<80x128xf32, #tpu.memory_space<vmem>>, vector<16xf32>,
        %mul3A_625 = arith.mulf %get3A_621, %get3A_624 : vector<16xf32>
        %add3A_626 = arith.addf %add3A_618, %mul3A_625 : vector<16xf32>
        %get3A_627 = arith.index_cast %add3A_587 : i32 to index
        %get3A_628 = arith.constant 80 : index
        %get3A_629 = tpu.vector_load %arg8[%get3A_627, %get3A_628] {strides = array<i32>} : memref<80x128xf32, #tpu.memory_space<vmem>>, vector<16xf32>,
        %get3A_630 = arith.index_cast %add3A_587 : i32 to index
        %get3A_631 = arith.constant 80 : index
        %get3A_632 = tpu.vector_load %arg9[%get3A_630, %get3A_631] {strides = array<i32>} : memref<80x128xf32, #tpu.memory_space<vmem>>, vector<16xf32>,
        %mul3A_633 = arith.mulf %get3A_629, %get3A_632 : vector<16xf32>
        %add3A_634 = arith.addf %add3A_626, %mul3A_633 : vector<16xf32>
        %get3A_635 = arith.index_cast %add3A_587 : i32 to index
        %get3A_636 = arith.constant 96 : index
        %get3A_637 = tpu.vector_load %arg8[%get3A_635, %get3A_636] {strides = array<i32>} : memref<80x128xf32, #tpu.memory_space<vmem>>, vector<16xf32>,
        %get3A_638 = arith.index_cast %add3A_587 : i32 to index
        %get3A_639 = arith.constant 96 : index
        %get3A_640 = tpu.vector_load %arg9[%get3A_638, %get3A_639] {strides = array<i32>} : memref<80x128xf32, #tpu.memory_space<vmem>>, vector<16xf32>,
        %mul3A_641 = arith.mulf %get3A_637, %get3A_640 : vector<16xf32>
        %add3A_642 = arith.addf %add3A_634, %mul3A_641 : vector<16xf32>
        %get3A_643 = arith.index_cast %add3A_587 : i32 to index
        %get3A_644 = arith.constant 112 : index
        %get3A_645 = tpu.vector_load %arg8[%get3A_643, %get3A_644] {strides = array<i32>} : memref<80x128xf32, #tpu.memory_space<vmem>>, vector<16xf32>,
        %get3A_646 = arith.index_cast %add3A_587 : i32 to index
        %get3A_647 = arith.constant 112 : index
        %get3A_648 = tpu.vector_load %arg9[%get3A_646, %get3A_647] {strides = array<i32>} : memref<80x128xf32, #tpu.memory_space<vmem>>, vector<16xf32>,
        %mul3A_649 = arith.mulf %get3A_645, %get3A_648 : vector<16xf32>
        %add3A_650 = arith.addf %add3A_642, %mul3A_649 : vector<16xf32>
        %swap3A_651 = arith.constant 128 : index
        %swap3A_652 = tpu.vector_load %arg10[%swap3A_651] {strides = array<i32>} : memref<256xf32, #tpu.memory_space<vmem>>, vector<16xf32>,
        tpu.vector_store %arg10[%swap3A_651], %add3A_650 {strides = array<i32>} : memref<256xf32, #tpu.memory_space<vmem>>, vector<16xf32>,
        %mul3A_653 = arith.constant 16 : i32
        %mul3A_654 = arith.muli %scan3A_32, %mul3A_653 : i32
        %add3A_655 = arith.constant 9 : i32
        %add3A_656 = arith.addi %mul3A_654, %add3A_655 : i32
        %get3A_657 = arith.index_cast %add3A_656 : i32 to index
        %get3A_658 = arith.constant 0 : index
        %get3A_659 = tpu.vector_load %arg8[%get3A_657, %get3A_658] {strides = array<i32>} : memref<80x128xf32, #tpu.memory_space<vmem>>, vector<16xf32>,
        %get3A_660 = arith.index_cast %add3A_656 : i32 to index
        %get3A_661 = arith.constant 0 : index
        %get3A_662 = tpu.vector_load %arg9[%get3A_660, %get3A_661] {strides = array<i32>} : memref<80x128xf32, #tpu.memory_space<vmem>>, vector<16xf32>,
        %mul3A_663 = arith.mulf %get3A_659, %get3A_662 : vector<16xf32>
        %get3A_664 = arith.index_cast %add3A_656 : i32 to index
        %get3A_665 = arith.constant 16 : index
        %get3A_666 = tpu.vector_load %arg8[%get3A_664, %get3A_665] {strides = array<i32>} : memref<80x128xf32, #tpu.memory_space<vmem>>, vector<16xf32>,
        %get3A_667 = arith.index_cast %add3A_656 : i32 to index
        %get3A_668 = arith.constant 16 : index
        %get3A_669 = tpu.vector_load %arg9[%get3A_667, %get3A_668] {strides = array<i32>} : memref<80x128xf32, #tpu.memory_space<vmem>>, vector<16xf32>,
        %mul3A_670 = arith.mulf %get3A_666, %get3A_669 : vector<16xf32>
        %add3A_671 = arith.addf %mul3A_663, %mul3A_670 : vector<16xf32>
        %get3A_672 = arith.index_cast %add3A_656 : i32 to index
        %get3A_673 = arith.constant 32 : index
        %get3A_674 = tpu.vector_load %arg8[%get3A_672, %get3A_673] {strides = array<i32>} : memref<80x128xf32, #tpu.memory_space<vmem>>, vector<16xf32>,
        %get3A_675 = arith.index_cast %add3A_656 : i32 to index
        %get3A_676 = arith.constant 32 : index
        %get3A_677 = tpu.vector_load %arg9[%get3A_675, %get3A_676] {strides = array<i32>} : memref<80x128xf32, #tpu.memory_space<vmem>>, vector<16xf32>,
        %mul3A_678 = arith.mulf %get3A_674, %get3A_677 : vector<16xf32>
        %add3A_679 = arith.addf %add3A_671, %mul3A_678 : vector<16xf32>
        %get3A_680 = arith.index_cast %add3A_656 : i32 to index
        %get3A_681 = arith.constant 48 : index
        %get3A_682 = tpu.vector_load %arg8[%get3A_680, %get3A_681] {strides = array<i32>} : memref<80x128xf32, #tpu.memory_space<vmem>>, vector<16xf32>,
        %get3A_683 = arith.index_cast %add3A_656 : i32 to index
        %get3A_684 = arith.constant 48 : index
        %get3A_685 = tpu.vector_load %arg9[%get3A_683, %get3A_684] {strides = array<i32>} : memref<80x128xf32, #tpu.memory_space<vmem>>, vector<16xf32>,
        %mul3A_686 = arith.mulf %get3A_682, %get3A_685 : vector<16xf32>
        %add3A_687 = arith.addf %add3A_679, %mul3A_686 : vector<16xf32>
        %get3A_688 = arith.index_cast %add3A_656 : i32 to index
        %get3A_689 = arith.constant 64 : index
        %get3A_690 = tpu.vector_load %arg8[%get3A_688, %get3A_689] {strides = array<i32>} : memref<80x128xf32, #tpu.memory_space<vmem>>, vector<16xf32>,
        %get3A_691 = arith.index_cast %add3A_656 : i32 to index
        %get3A_692 = arith.constant 64 : index
        %get3A_693 = tpu.vector_load %arg9[%get3A_691, %get3A_692] {strides = array<i32>} : memref<80x128xf32, #tpu.memory_space<vmem>>, vector<16xf32>,
        %mul3A_694 = arith.mulf %get3A_690, %get3A_693 : vector<16xf32>
        %add3A_695 = arith.addf %add3A_687, %mul3A_694 : vector<16xf32>
        %get3A_696 = arith.index_cast %add3A_656 : i32 to index
        %get3A_697 = arith.constant 80 : index
        %get3A_698 = tpu.vector_load %arg8[%get3A_696, %get3A_697] {strides = array<i32>} : memref<80x128xf32, #tpu.memory_space<vmem>>, vector<16xf32>,
        %get3A_699 = arith.index_cast %add3A_656 : i32 to index
        %get3A_700 = arith.constant 80 : index
        %get3A_701 = tpu.vector_load %arg9[%get3A_699, %get3A_700] {strides = array<i32>} : memref<80x128xf32, #tpu.memory_space<vmem>>, vector<16xf32>,
        %mul3A_702 = arith.mulf %get3A_698, %get3A_701 : vector<16xf32>
        %add3A_703 = arith.addf %add3A_695, %mul3A_702 : vector<16xf32>
        %get3A_704 = arith.index_cast %add3A_656 : i32 to index
        %get3A_705 = arith.constant 96 : index
        %get3A_706 = tpu.vector_load %arg8[%get3A_704, %get3A_705] {strides = array<i32>} : memref<80x128xf32, #tpu.memory_space<vmem>>, vector<16xf32>,
        %get3A_707 = arith.index_cast %add3A_656 : i32 to index
        %get3A_708 = arith.constant 96 : index
        %get3A_709 = tpu.vector_load %arg9[%get3A_707, %get3A_708] {strides = array<i32>} : memref<80x128xf32, #tpu.memory_space<vmem>>, vector<16xf32>,
        %mul3A_710 = arith.mulf %get3A_706, %get3A_709 : vector<16xf32>
        %add3A_711 = arith.addf %add3A_703, %mul3A_710 : vector<16xf32>
        %get3A_712 = arith.index_cast %add3A_656 : i32 to index
        %get3A_713 = arith.constant 112 : index
        %get3A_714 = tpu.vector_load %arg8[%get3A_712, %get3A_713] {strides = array<i32>} : memref<80x128xf32, #tpu.memory_space<vmem>>, vector<16xf32>,
        %get3A_715 = arith.index_cast %add3A_656 : i32 to index
        %get3A_716 = arith.constant 112 : index
        %get3A_717 = tpu.vector_load %arg9[%get3A_715, %get3A_716] {strides = array<i32>} : memref<80x128xf32, #tpu.memory_space<vmem>>, vector<16xf32>,
        %mul3A_718 = arith.mulf %get3A_714, %get3A_717 : vector<16xf32>
        %add3A_719 = arith.addf %add3A_711, %mul3A_718 : vector<16xf32>
        %swap3A_720 = arith.constant 144 : index
        %swap3A_721 = tpu.vector_load %arg10[%swap3A_720] {strides = array<i32>} : memref<256xf32, #tpu.memory_space<vmem>>, vector<16xf32>,
        tpu.vector_store %arg10[%swap3A_720], %add3A_719 {strides = array<i32>} : memref<256xf32, #tpu.memory_space<vmem>>, vector<16xf32>,
        %mul3A_722 = arith.constant 16 : i32
        %mul3A_723 = arith.muli %scan3A_32, %mul3A_722 : i32
        %add3A_724 = arith.constant 10 : i32
        %add3A_725 = arith.addi %mul3A_723, %add3A_724 : i32
        %get3A_726 = arith.index_cast %add3A_725 : i32 to index
        %get3A_727 = arith.constant 0 : index
        %get3A_728 = tpu.vector_load %arg8[%get3A_726, %get3A_727] {strides = array<i32>} : memref<80x128xf32, #tpu.memory_space<vmem>>, vector<16xf32>,
        %get3A_729 = arith.index_cast %add3A_725 : i32 to index
        %get3A_730 = arith.constant 0 : index
        %get3A_731 = tpu.vector_load %arg9[%get3A_729, %get3A_730] {strides = array<i32>} : memref<80x128xf32, #tpu.memory_space<vmem>>, vector<16xf32>,
        %mul3A_732 = arith.mulf %get3A_728, %get3A_731 : vector<16xf32>
        %get3A_733 = arith.index_cast %add3A_725 : i32 to index
        %get3A_734 = arith.constant 16 : index
        %get3A_735 = tpu.vector_load %arg8[%get3A_733, %get3A_734] {strides = array<i32>} : memref<80x128xf32, #tpu.memory_space<vmem>>, vector<16xf32>,
        %get3A_736 = arith.index_cast %add3A_725 : i32 to index
        %get3A_737 = arith.constant 16 : index
        %get3A_738 = tpu.vector_load %arg9[%get3A_736, %get3A_737] {strides = array<i32>} : memref<80x128xf32, #tpu.memory_space<vmem>>, vector<16xf32>,
        %mul3A_739 = arith.mulf %get3A_735, %get3A_738 : vector<16xf32>
        %add3A_740 = arith.addf %mul3A_732, %mul3A_739 : vector<16xf32>
        %get3A_741 = arith.index_cast %add3A_725 : i32 to index
        %get3A_742 = arith.constant 32 : index
        %get3A_743 = tpu.vector_load %arg8[%get3A_741, %get3A_742] {strides = array<i32>} : memref<80x128xf32, #tpu.memory_space<vmem>>, vector<16xf32>,
        %get3A_744 = arith.index_cast %add3A_725 : i32 to index
        %get3A_745 = arith.constant 32 : index
        %get3A_746 = tpu.vector_load %arg9[%get3A_744, %get3A_745] {strides = array<i32>} : memref<80x128xf32, #tpu.memory_space<vmem>>, vector<16xf32>,
        %mul3A_747 = arith.mulf %get3A_743, %get3A_746 : vector<16xf32>
        %add3A_748 = arith.addf %add3A_740, %mul3A_747 : vector<16xf32>
        %get3A_749 = arith.index_cast %add3A_725 : i32 to index
        %get3A_750 = arith.constant 48 : index
        %get3A_751 = tpu.vector_load %arg8[%get3A_749, %get3A_750] {strides = array<i32>} : memref<80x128xf32, #tpu.memory_space<vmem>>, vector<16xf32>,
        %get3A_752 = arith.index_cast %add3A_725 : i32 to index
        %get3A_753 = arith.constant 48 : index
        %get3A_754 = tpu.vector_load %arg9[%get3A_752, %get3A_753] {strides = array<i32>} : memref<80x128xf32, #tpu.memory_space<vmem>>, vector<16xf32>,
        %mul3A_755 = arith.mulf %get3A_751, %get3A_754 : vector<16xf32>
        %add3A_756 = arith.addf %add3A_748, %mul3A_755 : vector<16xf32>
        %get3A_757 = arith.index_cast %add3A_725 : i32 to index
        %get3A_758 = arith.constant 64 : index
        %get3A_759 = tpu.vector_load %arg8[%get3A_757, %get3A_758] {strides = array<i32>} : memref<80x128xf32, #tpu.memory_space<vmem>>, vector<16xf32>,
        %get3A_760 = arith.index_cast %add3A_725 : i32 to index
        %get3A_761 = arith.constant 64 : index
        %get3A_762 = tpu.vector_load %arg9[%get3A_760, %get3A_761] {strides = array<i32>} : memref<80x128xf32, #tpu.memory_space<vmem>>, vector<16xf32>,
        %mul3A_763 = arith.mulf %get3A_759, %get3A_762 : vector<16xf32>
        %add3A_764 = arith.addf %add3A_756, %mul3A_763 : vector<16xf32>
        %get3A_765 = arith.index_cast %add3A_725 : i32 to index
        %get3A_766 = arith.constant 80 : index
        %get3A_767 = tpu.vector_load %arg8[%get3A_765, %get3A_766] {strides = array<i32>} : memref<80x128xf32, #tpu.memory_space<vmem>>, vector<16xf32>,
        %get3A_768 = arith.index_cast %add3A_725 : i32 to index
        %get3A_769 = arith.constant 80 : index
        %get3A_770 = tpu.vector_load %arg9[%get3A_768, %get3A_769] {strides = array<i32>} : memref<80x128xf32, #tpu.memory_space<vmem>>, vector<16xf32>,
        %mul3A_771 = arith.mulf %get3A_767, %get3A_770 : vector<16xf32>
        %add3A_772 = arith.addf %add3A_764, %mul3A_771 : vector<16xf32>
        %get3A_773 = arith.index_cast %add3A_725 : i32 to index
        %get3A_774 = arith.constant 96 : index
        %get3A_775 = tpu.vector_load %arg8[%get3A_773, %get3A_774] {strides = array<i32>} : memref<80x128xf32, #tpu.memory_space<vmem>>, vector<16xf32>,
        %get3A_776 = arith.index_cast %add3A_725 : i32 to index
        %get3A_777 = arith.constant 96 : index
        %get3A_778 = tpu.vector_load %arg9[%get3A_776, %get3A_777] {strides = array<i32>} : memref<80x128xf32, #tpu.memory_space<vmem>>, vector<16xf32>,
        %mul3A_779 = arith.mulf %get3A_775, %get3A_778 : vector<16xf32>
        %add3A_780 = arith.addf %add3A_772, %mul3A_779 : vector<16xf32>
        %get3A_781 = arith.index_cast %add3A_725 : i32 to index
        %get3A_782 = arith.constant 112 : index
        %get3A_783 = tpu.vector_load %arg8[%get3A_781, %get3A_782] {strides = array<i32>} : memref<80x128xf32, #tpu.memory_space<vmem>>, vector<16xf32>,
        %get3A_784 = arith.index_cast %add3A_725 : i32 to index
        %get3A_785 = arith.constant 112 : index
        %get3A_786 = tpu.vector_load %arg9[%get3A_784, %get3A_785] {strides = array<i32>} : memref<80x128xf32, #tpu.memory_space<vmem>>, vector<16xf32>,
        %mul3A_787 = arith.mulf %get3A_783, %get3A_786 : vector<16xf32>
        %add3A_788 = arith.addf %add3A_780, %mul3A_787 : vector<16xf32>
        %swap3A_789 = arith.constant 160 : index
        %swap3A_790 = tpu.vector_load %arg10[%swap3A_789] {strides = array<i32>} : memref<256xf32, #tpu.memory_space<vmem>>, vector<16xf32>,
        tpu.vector_store %arg10[%swap3A_789], %add3A_788 {strides = array<i32>} : memref<256xf32, #tpu.memory_space<vmem>>, vector<16xf32>,
        %mul3A_791 = arith.constant 16 : i32
        %mul3A_792 = arith.muli %scan3A_32, %mul3A_791 : i32
        %add3A_793 = arith.constant 11 : i32
        %add3A_794 = arith.addi %mul3A_792, %add3A_793 : i32
        %get3A_795 = arith.index_cast %add3A_794 : i32 to index
        %get3A_796 = arith.constant 0 : index
        %get3A_797 = tpu.vector_load %arg8[%get3A_795, %get3A_796] {strides = array<i32>} : memref<80x128xf32, #tpu.memory_space<vmem>>, vector<16xf32>,
        %get3A_798 = arith.index_cast %add3A_794 : i32 to index
        %get3A_799 = arith.constant 0 : index
        %get3A_800 = tpu.vector_load %arg9[%get3A_798, %get3A_799] {strides = array<i32>} : memref<80x128xf32, #tpu.memory_space<vmem>>, vector<16xf32>,
        %mul3A_801 = arith.mulf %get3A_797, %get3A_800 : vector<16xf32>
        %get3A_802 = arith.index_cast %add3A_794 : i32 to index
        %get3A_803 = arith.constant 16 : index
        %get3A_804 = tpu.vector_load %arg8[%get3A_802, %get3A_803] {strides = array<i32>} : memref<80x128xf32, #tpu.memory_space<vmem>>, vector<16xf32>,
        %get3A_805 = arith.index_cast %add3A_794 : i32 to index
        %get3A_806 = arith.constant 16 : index
        %get3A_807 = tpu.vector_load %arg9[%get3A_805, %get3A_806] {strides = array<i32>} : memref<80x128xf32, #tpu.memory_space<vmem>>, vector<16xf32>,
        %mul3A_808 = arith.mulf %get3A_804, %get3A_807 : vector<16xf32>
        %add3A_809 = arith.addf %mul3A_801, %mul3A_808 : vector<16xf32>
        %get3A_810 = arith.index_cast %add3A_794 : i32 to index
        %get3A_811 = arith.constant 32 : index
        %get3A_812 = tpu.vector_load %arg8[%get3A_810, %get3A_811] {strides = array<i32>} : memref<80x128xf32, #tpu.memory_space<vmem>>, vector<16xf32>,
        %get3A_813 = arith.index_cast %add3A_794 : i32 to index
        %get3A_814 = arith.constant 32 : index
        %get3A_815 = tpu.vector_load %arg9[%get3A_813, %get3A_814] {strides = array<i32>} : memref<80x128xf32, #tpu.memory_space<vmem>>, vector<16xf32>,
        %mul3A_816 = arith.mulf %get3A_812, %get3A_815 : vector<16xf32>
        %add3A_817 = arith.addf %add3A_809, %mul3A_816 : vector<16xf32>
        %get3A_818 = arith.index_cast %add3A_794 : i32 to index
        %get3A_819 = arith.constant 48 : index
        %get3A_820 = tpu.vector_load %arg8[%get3A_818, %get3A_819] {strides = array<i32>} : memref<80x128xf32, #tpu.memory_space<vmem>>, vector<16xf32>,
        %get3A_821 = arith.index_cast %add3A_794 : i32 to index
        %get3A_822 = arith.constant 48 : index
        %get3A_823 = tpu.vector_load %arg9[%get3A_821, %get3A_822] {strides = array<i32>} : memref<80x128xf32, #tpu.memory_space<vmem>>, vector<16xf32>,
        %mul3A_824 = arith.mulf %get3A_820, %get3A_823 : vector<16xf32>
        %add3A_825 = arith.addf %add3A_817, %mul3A_824 : vector<16xf32>
        %get3A_826 = arith.index_cast %add3A_794 : i32 to index
        %get3A_827 = arith.constant 64 : index
        %get3A_828 = tpu.vector_load %arg8[%get3A_826, %get3A_827] {strides = array<i32>} : memref<80x128xf32, #tpu.memory_space<vmem>>, vector<16xf32>,
        %get3A_829 = arith.index_cast %add3A_794 : i32 to index
        %get3A_830 = arith.constant 64 : index
        %get3A_831 = tpu.vector_load %arg9[%get3A_829, %get3A_830] {strides = array<i32>} : memref<80x128xf32, #tpu.memory_space<vmem>>, vector<16xf32>,
        %mul3A_832 = arith.mulf %get3A_828, %get3A_831 : vector<16xf32>
        %add3A_833 = arith.addf %add3A_825, %mul3A_832 : vector<16xf32>
        %get3A_834 = arith.index_cast %add3A_794 : i32 to index
        %get3A_835 = arith.constant 80 : index
        %get3A_836 = tpu.vector_load %arg8[%get3A_834, %get3A_835] {strides = array<i32>} : memref<80x128xf32, #tpu.memory_space<vmem>>, vector<16xf32>,
        %get3A_837 = arith.index_cast %add3A_794 : i32 to index
        %get3A_838 = arith.constant 80 : index
        %get3A_839 = tpu.vector_load %arg9[%get3A_837, %get3A_838] {strides = array<i32>} : memref<80x128xf32, #tpu.memory_space<vmem>>, vector<16xf32>,
        %mul3A_840 = arith.mulf %get3A_836, %get3A_839 : vector<16xf32>
        %add3A_841 = arith.addf %add3A_833, %mul3A_840 : vector<16xf32>
        %get3A_842 = arith.index_cast %add3A_794 : i32 to index
        %get3A_843 = arith.constant 96 : index
        %get3A_844 = tpu.vector_load %arg8[%get3A_842, %get3A_843] {strides = array<i32>} : memref<80x128xf32, #tpu.memory_space<vmem>>, vector<16xf32>,
        %get3A_845 = arith.index_cast %add3A_794 : i32 to index
        %get3A_846 = arith.constant 96 : index
        %get3A_847 = tpu.vector_load %arg9[%get3A_845, %get3A_846] {strides = array<i32>} : memref<80x128xf32, #tpu.memory_space<vmem>>, vector<16xf32>,
        %mul3A_848 = arith.mulf %get3A_844, %get3A_847 : vector<16xf32>
        %add3A_849 = arith.addf %add3A_841, %mul3A_848 : vector<16xf32>
        %get3A_850 = arith.index_cast %add3A_794 : i32 to index
        %get3A_851 = arith.constant 112 : index
        %get3A_852 = tpu.vector_load %arg8[%get3A_850, %get3A_851] {strides = array<i32>} : memref<80x128xf32, #tpu.memory_space<vmem>>, vector<16xf32>,
        %get3A_853 = arith.index_cast %add3A_794 : i32 to index
        %get3A_854 = arith.constant 112 : index
        %get3A_855 = tpu.vector_load %arg9[%get3A_853, %get3A_854] {strides = array<i32>} : memref<80x128xf32, #tpu.memory_space<vmem>>, vector<16xf32>,
        %mul3A_856 = arith.mulf %get3A_852, %get3A_855 : vector<16xf32>
        %add3A_857 = arith.addf %add3A_849, %mul3A_856 : vector<16xf32>
        %swap3A_858 = arith.constant 176 : index
        %swap3A_859 = tpu.vector_load %arg10[%swap3A_858] {strides = array<i32>} : memref<256xf32, #tpu.memory_space<vmem>>, vector<16xf32>,
        tpu.vector_store %arg10[%swap3A_858], %add3A_857 {strides = array<i32>} : memref<256xf32, #tpu.memory_space<vmem>>, vector<16xf32>,
        %mul3A_860 = arith.constant 16 : i32
        %mul3A_861 = arith.muli %scan3A_32, %mul3A_860 : i32
        %add3A_862 = arith.constant 12 : i32
        %add3A_863 = arith.addi %mul3A_861, %add3A_862 : i32
        %get3A_864 = arith.index_cast %add3A_863 : i32 to index
        %get3A_865 = arith.constant 0 : index
        %get3A_866 = tpu.vector_load %arg8[%get3A_864, %get3A_865] {strides = array<i32>} : memref<80x128xf32, #tpu.memory_space<vmem>>, vector<16xf32>,
        %get3A_867 = arith.index_cast %add3A_863 : i32 to index
        %get3A_868 = arith.constant 0 : index
        %get3A_869 = tpu.vector_load %arg9[%get3A_867, %get3A_868] {strides = array<i32>} : memref<80x128xf32, #tpu.memory_space<vmem>>, vector<16xf32>,
        %mul3A_870 = arith.mulf %get3A_866, %get3A_869 : vector<16xf32>
        %get3A_871 = arith.index_cast %add3A_863 : i32 to index
        %get3A_872 = arith.constant 16 : index
        %get3A_873 = tpu.vector_load %arg8[%get3A_871, %get3A_872] {strides = array<i32>} : memref<80x128xf32, #tpu.memory_space<vmem>>, vector<16xf32>,
        %get3A_874 = arith.index_cast %add3A_863 : i32 to index
        %get3A_875 = arith.constant 16 : index
        %get3A_876 = tpu.vector_load %arg9[%get3A_874, %get3A_875] {strides = array<i32>} : memref<80x128xf32, #tpu.memory_space<vmem>>, vector<16xf32>,
        %mul3A_877 = arith.mulf %get3A_873, %get3A_876 : vector<16xf32>
        %add3A_878 = arith.addf %mul3A_870, %mul3A_877 : vector<16xf32>
        %get3A_879 = arith.index_cast %add3A_863 : i32 to index
        %get3A_880 = arith.constant 32 : index
        %get3A_881 = tpu.vector_load %arg8[%get3A_879, %get3A_880] {strides = array<i32>} : memref<80x128xf32, #tpu.memory_space<vmem>>, vector<16xf32>,
        %get3A_882 = arith.index_cast %add3A_863 : i32 to index
        %get3A_883 = arith.constant 32 : index
        %get3A_884 = tpu.vector_load %arg9[%get3A_882, %get3A_883] {strides = array<i32>} : memref<80x128xf32, #tpu.memory_space<vmem>>, vector<16xf32>,
        %mul3A_885 = arith.mulf %get3A_881, %get3A_884 : vector<16xf32>
        %add3A_886 = arith.addf %add3A_878, %mul3A_885 : vector<16xf32>
        %get3A_887 = arith.index_cast %add3A_863 : i32 to index
        %get3A_888 = arith.constant 48 : index
        %get3A_889 = tpu.vector_load %arg8[%get3A_887, %get3A_888] {strides = array<i32>} : memref<80x128xf32, #tpu.memory_space<vmem>>, vector<16xf32>,
        %get3A_890 = arith.index_cast %add3A_863 : i32 to index
        %get3A_891 = arith.constant 48 : index
        %get3A_892 = tpu.vector_load %arg9[%get3A_890, %get3A_891] {strides = array<i32>} : memref<80x128xf32, #tpu.memory_space<vmem>>, vector<16xf32>,
        %mul3A_893 = arith.mulf %get3A_889, %get3A_892 : vector<16xf32>
        %add3A_894 = arith.addf %add3A_886, %mul3A_893 : vector<16xf32>
        %get3A_895 = arith.index_cast %add3A_863 : i32 to index
        %get3A_896 = arith.constant 64 : index
        %get3A_897 = tpu.vector_load %arg8[%get3A_895, %get3A_896] {strides = array<i32>} : memref<80x128xf32, #tpu.memory_space<vmem>>, vector<16xf32>,
        %get3A_898 = arith.index_cast %add3A_863 : i32 to index
        %get3A_899 = arith.constant 64 : index
        %get3A_900 = tpu.vector_load %arg9[%get3A_898, %get3A_899] {strides = array<i32>} : memref<80x128xf32, #tpu.memory_space<vmem>>, vector<16xf32>,
        %mul3A_901 = arith.mulf %get3A_897, %get3A_900 : vector<16xf32>
        %add3A_902 = arith.addf %add3A_894, %mul3A_901 : vector<16xf32>
        %get3A_903 = arith.index_cast %add3A_863 : i32 to index
        %get3A_904 = arith.constant 80 : index
        %get3A_905 = tpu.vector_load %arg8[%get3A_903, %get3A_904] {strides = array<i32>} : memref<80x128xf32, #tpu.memory_space<vmem>>, vector<16xf32>,
        %get3A_906 = arith.index_cast %add3A_863 : i32 to index
        %get3A_907 = arith.constant 80 : index
        %get3A_908 = tpu.vector_load %arg9[%get3A_906, %get3A_907] {strides = array<i32>} : memref<80x128xf32, #tpu.memory_space<vmem>>, vector<16xf32>,
        %mul3A_909 = arith.mulf %get3A_905, %get3A_908 : vector<16xf32>
        %add3A_910 = arith.addf %add3A_902, %mul3A_909 : vector<16xf32>
        %get3A_911 = arith.index_cast %add3A_863 : i32 to index
        %get3A_912 = arith.constant 96 : index
        %get3A_913 = tpu.vector_load %arg8[%get3A_911, %get3A_912] {strides = array<i32>} : memref<80x128xf32, #tpu.memory_space<vmem>>, vector<16xf32>,
        %get3A_914 = arith.index_cast %add3A_863 : i32 to index
        %get3A_915 = arith.constant 96 : index
        %get3A_916 = tpu.vector_load %arg9[%get3A_914, %get3A_915] {strides = array<i32>} : memref<80x128xf32, #tpu.memory_space<vmem>>, vector<16xf32>,
        %mul3A_917 = arith.mulf %get3A_913, %get3A_916 : vector<16xf32>
        %add3A_918 = arith.addf %add3A_910, %mul3A_917 : vector<16xf32>
        %get3A_919 = arith.index_cast %add3A_863 : i32 to index
        %get3A_920 = arith.constant 112 : index
        %get3A_921 = tpu.vector_load %arg8[%get3A_919, %get3A_920] {strides = array<i32>} : memref<80x128xf32, #tpu.memory_space<vmem>>, vector<16xf32>,
        %get3A_922 = arith.index_cast %add3A_863 : i32 to index
        %get3A_923 = arith.constant 112 : index
        %get3A_924 = tpu.vector_load %arg9[%get3A_922, %get3A_923] {strides = array<i32>} : memref<80x128xf32, #tpu.memory_space<vmem>>, vector<16xf32>,
        %mul3A_925 = arith.mulf %get3A_921, %get3A_924 : vector<16xf32>
        %add3A_926 = arith.addf %add3A_918, %mul3A_925 : vector<16xf32>
        %swap3A_927 = arith.constant 192 : index
        %swap3A_928 = tpu.vector_load %arg10[%swap3A_927] {strides = array<i32>} : memref<256xf32, #tpu.memory_space<vmem>>, vector<16xf32>,
        tpu.vector_store %arg10[%swap3A_927], %add3A_926 {strides = array<i32>} : memref<256xf32, #tpu.memory_space<vmem>>, vector<16xf32>,
        %mul3A_929 = arith.constant 16 : i32
        %mul3A_930 = arith.muli %scan3A_32, %mul3A_929 : i32
        %add3A_931 = arith.constant 13 : i32
        %add3A_932 = arith.addi %mul3A_930, %add3A_931 : i32
        %get3A_933 = arith.index_cast %add3A_932 : i32 to index
        %get3A_934 = arith.constant 0 : index
        %get3A_935 = tpu.vector_load %arg8[%get3A_933, %get3A_934] {strides = array<i32>} : memref<80x128xf32, #tpu.memory_space<vmem>>, vector<16xf32>,
        %get3A_936 = arith.index_cast %add3A_932 : i32 to index
        %get3A_937 = arith.constant 0 : index
        %get3A_938 = tpu.vector_load %arg9[%get3A_936, %get3A_937] {strides = array<i32>} : memref<80x128xf32, #tpu.memory_space<vmem>>, vector<16xf32>,
        %mul3A_939 = arith.mulf %get3A_935, %get3A_938 : vector<16xf32>
        %get3A_940 = arith.index_cast %add3A_932 : i32 to index
        %get3A_941 = arith.constant 16 : index
        %get3A_942 = tpu.vector_load %arg8[%get3A_940, %get3A_941] {strides = array<i32>} : memref<80x128xf32, #tpu.memory_space<vmem>>, vector<16xf32>,
        %get3A_943 = arith.index_cast %add3A_932 : i32 to index
        %get3A_944 = arith.constant 16 : index
        %get3A_945 = tpu.vector_load %arg9[%get3A_943, %get3A_944] {strides = array<i32>} : memref<80x128xf32, #tpu.memory_space<vmem>>, vector<16xf32>,
        %mul3A_946 = arith.mulf %get3A_942, %get3A_945 : vector<16xf32>
        %add3A_947 = arith.addf %mul3A_939, %mul3A_946 : vector<16xf32>
        %get3A_948 = arith.index_cast %add3A_932 : i32 to index
        %get3A_949 = arith.constant 32 : index
        %get3A_950 = tpu.vector_load %arg8[%get3A_948, %get3A_949] {strides = array<i32>} : memref<80x128xf32, #tpu.memory_space<vmem>>, vector<16xf32>,
        %get3A_951 = arith.index_cast %add3A_932 : i32 to index
        %get3A_952 = arith.constant 32 : index
        %get3A_953 = tpu.vector_load %arg9[%get3A_951, %get3A_952] {strides = array<i32>} : memref<80x128xf32, #tpu.memory_space<vmem>>, vector<16xf32>,
        %mul3A_954 = arith.mulf %get3A_950, %get3A_953 : vector<16xf32>
        %add3A_955 = arith.addf %add3A_947, %mul3A_954 : vector<16xf32>
        %get3A_956 = arith.index_cast %add3A_932 : i32 to index
        %get3A_957 = arith.constant 48 : index
        %get3A_958 = tpu.vector_load %arg8[%get3A_956, %get3A_957] {strides = array<i32>} : memref<80x128xf32, #tpu.memory_space<vmem>>, vector<16xf32>,
        %get3A_959 = arith.index_cast %add3A_932 : i32 to index
        %get3A_960 = arith.constant 48 : index
        %get3A_961 = tpu.vector_load %arg9[%get3A_959, %get3A_960] {strides = array<i32>} : memref<80x128xf32, #tpu.memory_space<vmem>>, vector<16xf32>,
        %mul3A_962 = arith.mulf %get3A_958, %get3A_961 : vector<16xf32>
        %add3A_963 = arith.addf %add3A_955, %mul3A_962 : vector<16xf32>
        %get3A_964 = arith.index_cast %add3A_932 : i32 to index
        %get3A_965 = arith.constant 64 : index
        %get3A_966 = tpu.vector_load %arg8[%get3A_964, %get3A_965] {strides = array<i32>} : memref<80x128xf32, #tpu.memory_space<vmem>>, vector<16xf32>,
        %get3A_967 = arith.index_cast %add3A_932 : i32 to index
        %get3A_968 = arith.constant 64 : index
        %get3A_969 = tpu.vector_load %arg9[%get3A_967, %get3A_968] {strides = array<i32>} : memref<80x128xf32, #tpu.memory_space<vmem>>, vector<16xf32>,
        %mul3A_970 = arith.mulf %get3A_966, %get3A_969 : vector<16xf32>
        %add3A_971 = arith.addf %add3A_963, %mul3A_970 : vector<16xf32>
        %get3A_972 = arith.index_cast %add3A_932 : i32 to index
        %get3A_973 = arith.constant 80 : index
        %get3A_974 = tpu.vector_load %arg8[%get3A_972, %get3A_973] {strides = array<i32>} : memref<80x128xf32, #tpu.memory_space<vmem>>, vector<16xf32>,
        %get3A_975 = arith.index_cast %add3A_932 : i32 to index
        %get3A_976 = arith.constant 80 : index
        %get3A_977 = tpu.vector_load %arg9[%get3A_975, %get3A_976] {strides = array<i32>} : memref<80x128xf32, #tpu.memory_space<vmem>>, vector<16xf32>,
        %mul3A_978 = arith.mulf %get3A_974, %get3A_977 : vector<16xf32>
        %add3A_979 = arith.addf %add3A_971, %mul3A_978 : vector<16xf32>
        %get3A_980 = arith.index_cast %add3A_932 : i32 to index
        %get3A_981 = arith.constant 96 : index
        %get3A_982 = tpu.vector_load %arg8[%get3A_980, %get3A_981] {strides = array<i32>} : memref<80x128xf32, #tpu.memory_space<vmem>>, vector<16xf32>,
        %get3A_983 = arith.index_cast %add3A_932 : i32 to index
        %get3A_984 = arith.constant 96 : index
        %get3A_985 = tpu.vector_load %arg9[%get3A_983, %get3A_984] {strides = array<i32>} : memref<80x128xf32, #tpu.memory_space<vmem>>, vector<16xf32>,
        %mul3A_986 = arith.mulf %get3A_982, %get3A_985 : vector<16xf32>
        %add3A_987 = arith.addf %add3A_979, %mul3A_986 : vector<16xf32>
        %get3A_988 = arith.index_cast %add3A_932 : i32 to index
        %get3A_989 = arith.constant 112 : index
        %get3A_990 = tpu.vector_load %arg8[%get3A_988, %get3A_989] {strides = array<i32>} : memref<80x128xf32, #tpu.memory_space<vmem>>, vector<16xf32>,
        %get3A_991 = arith.index_cast %add3A_932 : i32 to index
        %get3A_992 = arith.constant 112 : index
        %get3A_993 = tpu.vector_load %arg9[%get3A_991, %get3A_992] {strides = array<i32>} : memref<80x128xf32, #tpu.memory_space<vmem>>, vector<16xf32>,
        %mul3A_994 = arith.mulf %get3A_990, %get3A_993 : vector<16xf32>
        %add3A_995 = arith.addf %add3A_987, %mul3A_994 : vector<16xf32>
        %swap3A_996 = arith.constant 208 : index
        %swap3A_997 = tpu.vector_load %arg10[%swap3A_996] {strides = array<i32>} : memref<256xf32, #tpu.memory_space<vmem>>, vector<16xf32>,
        tpu.vector_store %arg10[%swap3A_996], %add3A_995 {strides = array<i32>} : memref<256xf32, #tpu.memory_space<vmem>>, vector<16xf32>,
        %mul3A_998 = arith.constant 16 : i32
        %mul3A_999 = arith.muli %scan3A_32, %mul3A_998 : i32
        %add3A_1000 = arith.constant 14 : i32
        %add3A_1001 = arith.addi %mul3A_999, %add3A_1000 : i32
        %get3A_1002 = arith.index_cast %add3A_1001 : i32 to index
        %get3A_1003 = arith.constant 0 : index
        %get3A_1004 = tpu.vector_load %arg8[%get3A_1002, %get3A_1003] {strides = array<i32>} : memref<80x128xf32, #tpu.memory_space<vmem>>, vector<16xf32>,
        %get3A_1005 = arith.index_cast %add3A_1001 : i32 to index
        %get3A_1006 = arith.constant 0 : index
        %get3A_1007 = tpu.vector_load %arg9[%get3A_1005, %get3A_1006] {strides = array<i32>} : memref<80x128xf32, #tpu.memory_space<vmem>>, vector<16xf32>,
        %mul3A_1008 = arith.mulf %get3A_1004, %get3A_1007 : vector<16xf32>
        %get3A_1009 = arith.index_cast %add3A_1001 : i32 to index
        %get3A_1010 = arith.constant 16 : index
        %get3A_1011 = tpu.vector_load %arg8[%get3A_1009, %get3A_1010] {strides = array<i32>} : memref<80x128xf32, #tpu.memory_space<vmem>>, vector<16xf32>,
        %get3A_1012 = arith.index_cast %add3A_1001 : i32 to index
        %get3A_1013 = arith.constant 16 : index
        %get3A_1014 = tpu.vector_load %arg9[%get3A_1012, %get3A_1013] {strides = array<i32>} : memref<80x128xf32, #tpu.memory_space<vmem>>, vector<16xf32>,
        %mul3A_1015 = arith.mulf %get3A_1011, %get3A_1014 : vector<16xf32>
        %add3A_1016 = arith.addf %mul3A_1008, %mul3A_1015 : vector<16xf32>
        %get3A_1017 = arith.index_cast %add3A_1001 : i32 to index
        %get3A_1018 = arith.constant 32 : index
        %get3A_1019 = tpu.vector_load %arg8[%get3A_1017, %get3A_1018] {strides = array<i32>} : memref<80x128xf32, #tpu.memory_space<vmem>>, vector<16xf32>,
        %get3A_1020 = arith.index_cast %add3A_1001 : i32 to index
        %get3A_1021 = arith.constant 32 : index
        %get3A_1022 = tpu.vector_load %arg9[%get3A_1020, %get3A_1021] {strides = array<i32>} : memref<80x128xf32, #tpu.memory_space<vmem>>, vector<16xf32>,
        %mul3A_1023 = arith.mulf %get3A_1019, %get3A_1022 : vector<16xf32>
        %add3A_1024 = arith.addf %add3A_1016, %mul3A_1023 : vector<16xf32>
        %get3A_1025 = arith.index_cast %add3A_1001 : i32 to index
        %get3A_1026 = arith.constant 48 : index
        %get3A_1027 = tpu.vector_load %arg8[%get3A_1025, %get3A_1026] {strides = array<i32>} : memref<80x128xf32, #tpu.memory_space<vmem>>, vector<16xf32>,
        %get3A_1028 = arith.index_cast %add3A_1001 : i32 to index
        %get3A_1029 = arith.constant 48 : index
        %get3A_1030 = tpu.vector_load %arg9[%get3A_1028, %get3A_1029] {strides = array<i32>} : memref<80x128xf32, #tpu.memory_space<vmem>>, vector<16xf32>,
        %mul3A_1031 = arith.mulf %get3A_1027, %get3A_1030 : vector<16xf32>
        %add3A_1032 = arith.addf %add3A_1024, %mul3A_1031 : vector<16xf32>
        %get3A_1033 = arith.index_cast %add3A_1001 : i32 to index
        %get3A_1034 = arith.constant 64 : index
        %get3A_1035 = tpu.vector_load %arg8[%get3A_1033, %get3A_1034] {strides = array<i32>} : memref<80x128xf32, #tpu.memory_space<vmem>>, vector<16xf32>,
        %get3A_1036 = arith.index_cast %add3A_1001 : i32 to index
        %get3A_1037 = arith.constant 64 : index
        %get3A_1038 = tpu.vector_load %arg9[%get3A_1036, %get3A_1037] {strides = array<i32>} : memref<80x128xf32, #tpu.memory_space<vmem>>, vector<16xf32>,
        %mul3A_1039 = arith.mulf %get3A_1035, %get3A_1038 : vector<16xf32>
        %add3A_1040 = arith.addf %add3A_1032, %mul3A_1039 : vector<16xf32>
        %get3A_1041 = arith.index_cast %add3A_1001 : i32 to index
        %get3A_1042 = arith.constant 80 : index
        %get3A_1043 = tpu.vector_load %arg8[%get3A_1041, %get3A_1042] {strides = array<i32>} : memref<80x128xf32, #tpu.memory_space<vmem>>, vector<16xf32>,
        %get3A_1044 = arith.index_cast %add3A_1001 : i32 to index
        %get3A_1045 = arith.constant 80 : index
        %get3A_1046 = tpu.vector_load %arg9[%get3A_1044, %get3A_1045] {strides = array<i32>} : memref<80x128xf32, #tpu.memory_space<vmem>>, vector<16xf32>,
        %mul3A_1047 = arith.mulf %get3A_1043, %get3A_1046 : vector<16xf32>
        %add3A_1048 = arith.addf %add3A_1040, %mul3A_1047 : vector<16xf32>
        %get3A_1049 = arith.index_cast %add3A_1001 : i32 to index
        %get3A_1050 = arith.constant 96 : index
        %get3A_1051 = tpu.vector_load %arg8[%get3A_1049, %get3A_1050] {strides = array<i32>} : memref<80x128xf32, #tpu.memory_space<vmem>>, vector<16xf32>,
        %get3A_1052 = arith.index_cast %add3A_1001 : i32 to index
        %get3A_1053 = arith.constant 96 : index
        %get3A_1054 = tpu.vector_load %arg9[%get3A_1052, %get3A_1053] {strides = array<i32>} : memref<80x128xf32, #tpu.memory_space<vmem>>, vector<16xf32>,
        %mul3A_1055 = arith.mulf %get3A_1051, %get3A_1054 : vector<16xf32>
        %add3A_1056 = arith.addf %add3A_1048, %mul3A_1055 : vector<16xf32>
        %get3A_1057 = arith.index_cast %add3A_1001 : i32 to index
        %get3A_1058 = arith.constant 112 : index
        %get3A_1059 = tpu.vector_load %arg8[%get3A_1057, %get3A_1058] {strides = array<i32>} : memref<80x128xf32, #tpu.memory_space<vmem>>, vector<16xf32>,
        %get3A_1060 = arith.index_cast %add3A_1001 : i32 to index
        %get3A_1061 = arith.constant 112 : index
        %get3A_1062 = tpu.vector_load %arg9[%get3A_1060, %get3A_1061] {strides = array<i32>} : memref<80x128xf32, #tpu.memory_space<vmem>>, vector<16xf32>,
        %mul3A_1063 = arith.mulf %get3A_1059, %get3A_1062 : vector<16xf32>
        %add3A_1064 = arith.addf %add3A_1056, %mul3A_1063 : vector<16xf32>
        %swap3A_1065 = arith.constant 224 : index
        %swap3A_1066 = tpu.vector_load %arg10[%swap3A_1065] {strides = array<i32>} : memref<256xf32, #tpu.memory_space<vmem>>, vector<16xf32>,
        tpu.vector_store %arg10[%swap3A_1065], %add3A_1064 {strides = array<i32>} : memref<256xf32, #tpu.memory_space<vmem>>, vector<16xf32>,
        %mul3A_1067 = arith.constant 16 : i32
        %mul3A_1068 = arith.muli %scan3A_32, %mul3A_1067 : i32
        %add3A_1069 = arith.constant 15 : i32
        %add3A_1070 = arith.addi %mul3A_1068, %add3A_1069 : i32
        %get3A_1071 = arith.index_cast %add3A_1070 : i32 to index
        %get3A_1072 = arith.constant 0 : index
        %get3A_1073 = tpu.vector_load %arg8[%get3A_1071, %get3A_1072] {strides = array<i32>} : memref<80x128xf32, #tpu.memory_space<vmem>>, vector<16xf32>,
        %get3A_1074 = arith.index_cast %add3A_1070 : i32 to index
        %get3A_1075 = arith.constant 0 : index
        %get3A_1076 = tpu.vector_load %arg9[%get3A_1074, %get3A_1075] {strides = array<i32>} : memref<80x128xf32, #tpu.memory_space<vmem>>, vector<16xf32>,
        %mul3A_1077 = arith.mulf %get3A_1073, %get3A_1076 : vector<16xf32>
        %get3A_1078 = arith.index_cast %add3A_1070 : i32 to index
        %get3A_1079 = arith.constant 16 : index
        %get3A_1080 = tpu.vector_load %arg8[%get3A_1078, %get3A_1079] {strides = array<i32>} : memref<80x128xf32, #tpu.memory_space<vmem>>, vector<16xf32>,
        %get3A_1081 = arith.index_cast %add3A_1070 : i32 to index
        %get3A_1082 = arith.constant 16 : index
        %get3A_1083 = tpu.vector_load %arg9[%get3A_1081, %get3A_1082] {strides = array<i32>} : memref<80x128xf32, #tpu.memory_space<vmem>>, vector<16xf32>,
        %mul3A_1084 = arith.mulf %get3A_1080, %get3A_1083 : vector<16xf32>
        %add3A_1085 = arith.addf %mul3A_1077, %mul3A_1084 : vector<16xf32>
        %get3A_1086 = arith.index_cast %add3A_1070 : i32 to index
        %get3A_1087 = arith.constant 32 : index
        %get3A_1088 = tpu.vector_load %arg8[%get3A_1086, %get3A_1087] {strides = array<i32>} : memref<80x128xf32, #tpu.memory_space<vmem>>, vector<16xf32>,
        %get3A_1089 = arith.index_cast %add3A_1070 : i32 to index
        %get3A_1090 = arith.constant 32 : index
        %get3A_1091 = tpu.vector_load %arg9[%get3A_1089, %get3A_1090] {strides = array<i32>} : memref<80x128xf32, #tpu.memory_space<vmem>>, vector<16xf32>,
        %mul3A_1092 = arith.mulf %get3A_1088, %get3A_1091 : vector<16xf32>
        %add3A_1093 = arith.addf %add3A_1085, %mul3A_1092 : vector<16xf32>
        %get3A_1094 = arith.index_cast %add3A_1070 : i32 to index
        %get3A_1095 = arith.constant 48 : index
        %get3A_1096 = tpu.vector_load %arg8[%get3A_1094, %get3A_1095] {strides = array<i32>} : memref<80x128xf32, #tpu.memory_space<vmem>>, vector<16xf32>,
        %get3A_1097 = arith.index_cast %add3A_1070 : i32 to index
        %get3A_1098 = arith.constant 48 : index
        %get3A_1099 = tpu.vector_load %arg9[%get3A_1097, %get3A_1098] {strides = array<i32>} : memref<80x128xf32, #tpu.memory_space<vmem>>, vector<16xf32>,
        %mul3A_1100 = arith.mulf %get3A_1096, %get3A_1099 : vector<16xf32>
        %add3A_1101 = arith.addf %add3A_1093, %mul3A_1100 : vector<16xf32>
        %get3A_1102 = arith.index_cast %add3A_1070 : i32 to index
        %get3A_1103 = arith.constant 64 : index
        %get3A_1104 = tpu.vector_load %arg8[%get3A_1102, %get3A_1103] {strides = array<i32>} : memref<80x128xf32, #tpu.memory_space<vmem>>, vector<16xf32>,
        %get3A_1105 = arith.index_cast %add3A_1070 : i32 to index
        %get3A_1106 = arith.constant 64 : index
        %get3A_1107 = tpu.vector_load %arg9[%get3A_1105, %get3A_1106] {strides = array<i32>} : memref<80x128xf32, #tpu.memory_space<vmem>>, vector<16xf32>,
        %mul3A_1108 = arith.mulf %get3A_1104, %get3A_1107 : vector<16xf32>
        %add3A_1109 = arith.addf %add3A_1101, %mul3A_1108 : vector<16xf32>
        %get3A_1110 = arith.index_cast %add3A_1070 : i32 to index
        %get3A_1111 = arith.constant 80 : index
        %get3A_1112 = tpu.vector_load %arg8[%get3A_1110, %get3A_1111] {strides = array<i32>} : memref<80x128xf32, #tpu.memory_space<vmem>>, vector<16xf32>,
        %get3A_1113 = arith.index_cast %add3A_1070 : i32 to index
        %get3A_1114 = arith.constant 80 : index
        %get3A_1115 = tpu.vector_load %arg9[%get3A_1113, %get3A_1114] {strides = array<i32>} : memref<80x128xf32, #tpu.memory_space<vmem>>, vector<16xf32>,
        %mul3A_1116 = arith.mulf %get3A_1112, %get3A_1115 : vector<16xf32>
        %add3A_1117 = arith.addf %add3A_1109, %mul3A_1116 : vector<16xf32>
        %get3A_1118 = arith.index_cast %add3A_1070 : i32 to index
        %get3A_1119 = arith.constant 96 : index
        %get3A_1120 = tpu.vector_load %arg8[%get3A_1118, %get3A_1119] {strides = array<i32>} : memref<80x128xf32, #tpu.memory_space<vmem>>, vector<16xf32>,
        %get3A_1121 = arith.index_cast %add3A_1070 : i32 to index
        %get3A_1122 = arith.constant 96 : index
        %get3A_1123 = tpu.vector_load %arg9[%get3A_1121, %get3A_1122] {strides = array<i32>} : memref<80x128xf32, #tpu.memory_space<vmem>>, vector<16xf32>,
        %mul3A_1124 = arith.mulf %get3A_1120, %get3A_1123 : vector<16xf32>
        %add3A_1125 = arith.addf %add3A_1117, %mul3A_1124 : vector<16xf32>
        %get3A_1126 = arith.index_cast %add3A_1070 : i32 to index
        %get3A_1127 = arith.constant 112 : index
        %get3A_1128 = tpu.vector_load %arg8[%get3A_1126, %get3A_1127] {strides = array<i32>} : memref<80x128xf32, #tpu.memory_space<vmem>>, vector<16xf32>,
        %get3A_1129 = arith.index_cast %add3A_1070 : i32 to index
        %get3A_1130 = arith.constant 112 : index
        %get3A_1131 = tpu.vector_load %arg9[%get3A_1129, %get3A_1130] {strides = array<i32>} : memref<80x128xf32, #tpu.memory_space<vmem>>, vector<16xf32>,
        %mul3A_1132 = arith.mulf %get3A_1128, %get3A_1131 : vector<16xf32>
        %add3A_1133 = arith.addf %add3A_1125, %mul3A_1132 : vector<16xf32>
        %swap3A_1134 = arith.constant 240 : index
        %swap3A_1135 = tpu.vector_load %arg10[%swap3A_1134] {strides = array<i32>} : memref<256xf32, #tpu.memory_space<vmem>>, vector<16xf32>,
        tpu.vector_store %arg10[%swap3A_1134], %add3A_1133 {strides = array<i32>} : memref<256xf32, #tpu.memory_space<vmem>>, vector<16xf32>,
        %mul3A_1136 = arith.constant 16 : i32
        %mul3A_1137 = vector.broadcast %mul3A_1136 : i32 to vector<16xi32>
        %mul3A_1138 = arith.muli %iota3A, %mul3A_1137 : vector<16xi32>
        %gather3A = tpu.vector_load_idx %arg10[%mul3A_1138] : memref<256xf32, #tpu.memory_space<vmem>>[vector<16xi32>], vector<16xf32>,
        %add3A_1139 = arith.constant 1 : i32
        %add3A_1140 = vector.broadcast %add3A_1139 : i32 to vector<16xi32>
        %add3A_1141 = arith.addi %mul3A_1138, %add3A_1140 : vector<16xi32>
        %gather3A_1142 = tpu.vector_load_idx %arg10[%add3A_1141] : memref<256xf32, #tpu.memory_space<vmem>>[vector<16xi32>], vector<16xf32>,
        %add3A_1143 = arith.addf %gather3A, %gather3A_1142 : vector<16xf32>
        %add3A_1144 = arith.constant 2 : i32
        %add3A_1145 = vector.broadcast %add3A_1144 : i32 to vector<16xi32>
        %add3A_1146 = arith.addi %mul3A_1138, %add3A_1145 : vector<16xi32>
        %gather3A_1147 = tpu.vector_load_idx %arg10[%add3A_1146] : memref<256xf32, #tpu.memory_space<vmem>>[vector<16xi32>], vector<16xf32>,
        %add3A_1148 = arith.addf %add3A_1143, %gather3A_1147 : vector<16xf32>
        %add3A_1149 = arith.constant 3 : i32
        %add3A_1150 = vector.broadcast %add3A_1149 : i32 to vector<16xi32>
        %add3A_1151 = arith.addi %mul3A_1138, %add3A_1150 : vector<16xi32>
        %gather3A_1152 = tpu.vector_load_idx %arg10[%add3A_1151] : memref<256xf32, #tpu.memory_space<vmem>>[vector<16xi32>], vector<16xf32>,
        %add3A_1153 = arith.addf %add3A_1148, %gather3A_1152 : vector<16xf32>
        %add3A_1154 = arith.constant 4 : i32
        %add3A_1155 = vector.broadcast %add3A_1154 : i32 to vector<16xi32>
        %add3A_1156 = arith.addi %mul3A_1138, %add3A_1155 : vector<16xi32>
        %gather3A_1157 = tpu.vector_load_idx %arg10[%add3A_1156] : memref<256xf32, #tpu.memory_space<vmem>>[vector<16xi32>], vector<16xf32>,
        %add3A_1158 = arith.addf %add3A_1153, %gather3A_1157 : vector<16xf32>
        %add3A_1159 = arith.constant 5 : i32
        %add3A_1160 = vector.broadcast %add3A_1159 : i32 to vector<16xi32>
        %add3A_1161 = arith.addi %mul3A_1138, %add3A_1160 : vector<16xi32>
        %gather3A_1162 = tpu.vector_load_idx %arg10[%add3A_1161] : memref<256xf32, #tpu.memory_space<vmem>>[vector<16xi32>], vector<16xf32>,
        %add3A_1163 = arith.addf %add3A_1158, %gather3A_1162 : vector<16xf32>
        %add3A_1164 = arith.constant 6 : i32
        %add3A_1165 = vector.broadcast %add3A_1164 : i32 to vector<16xi32>
        %add3A_1166 = arith.addi %mul3A_1138, %add3A_1165 : vector<16xi32>
        %gather3A_1167 = tpu.vector_load_idx %arg10[%add3A_1166] : memref<256xf32, #tpu.memory_space<vmem>>[vector<16xi32>], vector<16xf32>,
        %add3A_1168 = arith.addf %add3A_1163, %gather3A_1167 : vector<16xf32>
        %add3A_1169 = arith.constant 7 : i32
        %add3A_1170 = vector.broadcast %add3A_1169 : i32 to vector<16xi32>
        %add3A_1171 = arith.addi %mul3A_1138, %add3A_1170 : vector<16xi32>
        %gather3A_1172 = tpu.vector_load_idx %arg10[%add3A_1171] : memref<256xf32, #tpu.memory_space<vmem>>[vector<16xi32>], vector<16xf32>,
        %add3A_1173 = arith.addf %add3A_1168, %gather3A_1172 : vector<16xf32>
        %add3A_1174 = arith.constant 8 : i32
        %add3A_1175 = vector.broadcast %add3A_1174 : i32 to vector<16xi32>
        %add3A_1176 = arith.addi %mul3A_1138, %add3A_1175 : vector<16xi32>
        %gather3A_1177 = tpu.vector_load_idx %arg10[%add3A_1176] : memref<256xf32, #tpu.memory_space<vmem>>[vector<16xi32>], vector<16xf32>,
        %add3A_1178 = arith.addf %add3A_1173, %gather3A_1177 : vector<16xf32>
        %add3A_1179 = arith.constant 9 : i32
        %add3A_1180 = vector.broadcast %add3A_1179 : i32 to vector<16xi32>
        %add3A_1181 = arith.addi %mul3A_1138, %add3A_1180 : vector<16xi32>
        %gather3A_1182 = tpu.vector_load_idx %arg10[%add3A_1181] : memref<256xf32, #tpu.memory_space<vmem>>[vector<16xi32>], vector<16xf32>,
        %add3A_1183 = arith.addf %add3A_1178, %gather3A_1182 : vector<16xf32>
        %add3A_1184 = arith.constant 10 : i32
        %add3A_1185 = vector.broadcast %add3A_1184 : i32 to vector<16xi32>
        %add3A_1186 = arith.addi %mul3A_1138, %add3A_1185 : vector<16xi32>
        %gather3A_1187 = tpu.vector_load_idx %arg10[%add3A_1186] : memref<256xf32, #tpu.memory_space<vmem>>[vector<16xi32>], vector<16xf32>,
        %add3A_1188 = arith.addf %add3A_1183, %gather3A_1187 : vector<16xf32>
        %add3A_1189 = arith.constant 11 : i32
        %add3A_1190 = vector.broadcast %add3A_1189 : i32 to vector<16xi32>
        %add3A_1191 = arith.addi %mul3A_1138, %add3A_1190 : vector<16xi32>
        %gather3A_1192 = tpu.vector_load_idx %arg10[%add3A_1191] : memref<256xf32, #tpu.memory_space<vmem>>[vector<16xi32>], vector<16xf32>,
        %add3A_1193 = arith.addf %add3A_1188, %gather3A_1192 : vector<16xf32>
        %add3A_1194 = arith.constant 12 : i32
        %add3A_1195 = vector.broadcast %add3A_1194 : i32 to vector<16xi32>
        %add3A_1196 = arith.addi %mul3A_1138, %add3A_1195 : vector<16xi32>
        %gather3A_1197 = tpu.vector_load_idx %arg10[%add3A_1196] : memref<256xf32, #tpu.memory_space<vmem>>[vector<16xi32>], vector<16xf32>,
        %add3A_1198 = arith.addf %add3A_1193, %gather3A_1197 : vector<16xf32>
        %add3A_1199 = arith.constant 13 : i32
        %add3A_1200 = vector.broadcast %add3A_1199 : i32 to vector<16xi32>
        %add3A_1201 = arith.addi %mul3A_1138, %add3A_1200 : vector<16xi32>
        %gather3A_1202 = tpu.vector_load_idx %arg10[%add3A_1201] : memref<256xf32, #tpu.memory_space<vmem>>[vector<16xi32>], vector<16xf32>,
        %add3A_1203 = arith.addf %add3A_1198, %gather3A_1202 : vector<16xf32>
        %add3A_1204 = arith.constant 14 : i32
        %add3A_1205 = vector.broadcast %add3A_1204 : i32 to vector<16xi32>
        %add3A_1206 = arith.addi %mul3A_1138, %add3A_1205 : vector<16xi32>
        %gather3A_1207 = tpu.vector_load_idx %arg10[%add3A_1206] : memref<256xf32, #tpu.memory_space<vmem>>[vector<16xi32>], vector<16xf32>,
        %add3A_1208 = arith.addf %add3A_1203, %gather3A_1207 : vector<16xf32>
        %add3A_1209 = arith.constant 15 : i32
        %add3A_1210 = vector.broadcast %add3A_1209 : i32 to vector<16xi32>
        %add3A_1211 = arith.addi %mul3A_1138, %add3A_1210 : vector<16xi32>
        %gather3A_1212 = tpu.vector_load_idx %arg10[%add3A_1211] : memref<256xf32, #tpu.memory_space<vmem>>[vector<16xi32>], vector<16xf32>,
        %add3A_1213 = arith.addf %add3A_1208, %gather3A_1212 : vector<16xf32>
        %neg3A = arith.constant 0.000000e+00 : f32
        %neg3A_1214 = vector.broadcast %neg3A : f32 to vector<16xf32>
        %neg3A_1215 = arith.subf %neg3A_1214, %add3A_1213 : vector<16xf32>
        %exp3A = math.exp %neg3A_1215 : vector<16xf32>
        %add3A_1216 = arith.constant 1.000000e+00 : f32
        %add3A_1217 = vector.broadcast %add3A_1216 : f32 to vector<16xf32>
        %add3A_1218 = arith.addf %add3A_1217, %exp3A : vector<16xf32>
        %div3A = arith.constant 1.000000e+00 : f32
        %div3A_1219 = vector.broadcast %div3A : f32 to vector<16xf32>
        %div3A_1220 = arith.divf %div3A_1219, %add3A_1218 : vector<16xf32>
        %mul3A_1221 = arith.constant 16 : i32
        %mul3A_1222 = arith.muli %scan3A_32, %mul3A_1221 : i32
        %swap3A_1223 = arith.index_cast %mul3A_1222 : i32 to index
        %swap3A_1224 = tpu.vector_load %arg11[%swap3A_1223] {strides = array<i32>} : memref<80xf32, #tpu.memory_space<vmem>>, vector<16xf32>,
        tpu.vector_store %arg11[%swap3A_1223], %div3A_1220 {strides = array<i32>} : memref<80xf32, #tpu.memory_space<vmem>>, vector<16xf32>,
        %scan3A_1225 = arith.constant 0 : i32
        scf.yield %scan3A_1225 : i32
      }
      %scan3A_30 = arith.constant 5 : i32
      "tpu.region"() ({
        %run_scoped3A = tpu.sem_alloc : memref<!tpu.dma_semaphore, #tpu.memory_space<semaphore_mem>>
        %dma_start3A_32 = tpu.memref_slice %arg5[%add3A_13] : memref<320000xf32, #tpu.memory_space<hbm>> -> memref<80xf32, #tpu.memory_space<hbm>>
        %dma_start3A_33 = tpu.memref_slice %arg5[%add3A_13] : memref<320000xf32, #tpu.memory_space<hbm>> -> memref<80xf32, #tpu.memory_space<hbm>>
        tpu.enqueue_dma source(%arg11 : memref<80xf32, #tpu.memory_space<vmem>>) target(%dma_start3A_33 : memref<80xf32, #tpu.memory_space<hbm>>) target_semaphore(%run_scoped3A : memref<!tpu.dma_semaphore, #tpu.memory_space<semaphore_mem>>)
        %dma_wait3A_34 = tpu.memref_slice %arg5[%add3A_13] : memref<320000xf32, #tpu.memory_space<hbm>> -> memref<80xf32, #tpu.memory_space<hbm>>
        %dma_wait3A_35 = tpu.memref_slice %arg5[%add3A_13] : memref<320000xf32, #tpu.memory_space<hbm>> -> memref<80xf32, #tpu.memory_space<hbm>>
        tpu.wait_dma2 semaphore(%run_scoped3A : memref<!tpu.dma_semaphore, #tpu.memory_space<semaphore_mem>>) src(%arg11 : memref<80xf32, #tpu.memory_space<vmem>>) dst(%dma_wait3A_35 : memref<80xf32, #tpu.memory_space<hbm>>)
        tpu.yield
      }) : () -> ()
      %scan3A_31 = arith.constant 0 : i32
      scf.yield %scan3A_31 : i32
    }
    %scan3A_8 = arith.constant 125 : i32
    return
  }
}

</mosaic_0001>

<sc_bundles>
// kernel: _decode.3.cloned.1.call-start
scs
__scs_entry_jumppad:
0x0: {  	(pc) =	sbr.rel $0x88, $3  }
0x1: {  	(tag) =	ssettag $0x0;
	lr =	simm.s32 $0x1  }
0x2: {  	[smem:$0x3F9E] =	sst lr;
	_ =	strace $0xD0000000  }
0x3: {  	_ = 	snop  }
0x4: {  	_ = 	snop  }
0x5: {  	_ = 	snop  }
0x6: {  	_ = 	snop  }
0x7: {  	_ = 	snop  }
__scs_overlays_trampoline_lowered:
0x8: {  	[smem:$0x3FAD] =	sst s0  }
0x9: {  	[smem:$0x3FAE] =	sst s1  }
0xa: {  	[smem:$0x3FAF] =	sst s2  }
0xb: {  	[smem:$0x3FB0] =	sst s3  }
0xc: {  	[smem:$0x3FB1] =	sst s4  }
0xd: {  	[smem:$0x3FB2] =	sst s5  }
0xe: {  	[smem:$0x3FB3] =	sst s6  }
0xf: {  	[smem:$0x3FB4] =	sst s7  }
0x10: {  	[smem:$0x3FB5] =	sst s8  }
0x11: {  	[smem:$0x3FB6] =	sst s9;
	s0 =	simm.s32 @!p0 $0x0  }
0x12: {  	s1 =	sld [smem:$0x3F9C];
	s0 =	simm.s32 @p0 $0x1  }
0x13: {  	[smem:$0x3FB7] =	sst s0;
	s0 =	simm.s32 @!p1 $0x0  }
0x14: {  	s2 =	sld [smem:$0x3F9B];
	s0 =	simm.s32 @p1 $0x1  }
0x15: {  	[smem:$0x3FB8] =	sst s0;
	s0 =	simm.s32 @!p2 $0x0  }
0x16: {  	s3 =	sld [smem:$0x3FDB];
	s0 =	simm.s32 @p2 $0x1  }
0x17: {  	s4 =	simm.s32 $0x1BF5;
	[smem:$0x3FBA] =	sst s0  }
0x18: {  	s0 =	sld [smem:$0x3F9D];
	_ =	swait.ge [sflag:s4], $0x0  }
0x19: {  	s7 =	sld [smem:$0x3F9E]  }
0x1a: {  	s8 =	sadd.s32 $0xFFFFE003, lr  }
0x1b: {  	s9 =	sadd.s32 $0xFFFFFEF7, lr;
	s5 =	simm.s32 $0xFFFFFFFF;
	p2 =	slt.u32 s8, $0xFFFFF086  }
0x1c: {  	p1 =	slt.u32 s9, $0xF7A;
	s5 =	simm.s32 @!p2 $0x0  }
0x1d: {  	s5 =	simm.s32 @p1 $0x1;
	p0 =	seq.s32 s7, s2  }
0x1e: {  	s7 =	smul.u32 @!p0 $0xF7A, s2;
	p2 =	seq.s32 @!p0 s5, $0x0  }
0x1f: {  	s9 =	smul.u32 $0xF7A, s1;
	s8 =	simm.s32 @!p0 $0x1BF5;
	p2 =	por !p2, p0  }
0x20: {  	[sflag:s8] =	ssyncset.s32 @!p0 $0xFFFFF086;
	s6 =	sadd.s32 @!p0 s3, s7;
	s7 =	simm.s32 @!p0 $0x108  }
0x21: {  	s3 =	sadd.s32 s3, s9;
	s6 =	sadd.s32 @!p0 $0x88, s6;
	s7 =	simm.s32 @p2 $0x1082  }
0x22: {  	[simem:s7], [sflag:s8] =	dma.local @!p0 [hbm:s6], $0xF7A  }
0x23: {  	s9 =	sor.u32 $0xD0000000, s2;
	s6 =	simm.s32 $0x108;
	_ =	swait.ge @!p0 [sflag:s8], $0x0  }
0x24: {  	s3 =	sadd.s32 $0x88, s3;
	s6 =	simm.s32 @!p1 $0x1082;
	[sflag:s4] =	ssyncset.s32 $0xFFFFF086  }
0x25: {  	[simem:s6], [sflag:s4] =	dma.local [hbm:s3], $0xF7A  }
0x26: {  	[smem:$0x3F9E] =	sst s1;
	(tag) =	ssettag s2;
	_ =	strace s9  }
0x27: {  	s1 =	sld [smem:$0x3FAE]  }
0x28: {  	s2 =	sld [smem:$0x3FAF]  }
0x29: {  	s4 =	sld [smem:$0x3FB1]  }
0x2a: {  	p0 =	seq.s32 s5, $0x0;
	s5 =	sld [smem:$0x3FB2]  }
0x2b: {  	s6 =	sld [smem:$0x3FB3]  }
0x2c: {  	s7 =	sld [smem:$0x3FB4]  }
0x2d: {  	s3 =	simm.s32 $0x108;
	s8 =	sld [smem:$0x3FB5]  }
0x2e: {  	s3 =	simm.s32 @!p0 $0x1082;
	s9 =	sld [smem:$0x3FB6]  }
0x2f: {  	lr =	sadd.s32 s0, s3;
	s0 =	sld [smem:$0x3FAD]  }
0x30: {  	s3 =	sld [smem:$0x3FB0]  }
0x31: {  	[smem:$0x3FB9] =	sst s10  }
0x32: {  	s10 =	sld [smem:$0x3FB7];
	_ =	sdelay $0x3  }
0x33: {  	p0 =	seq.s32 s10, $0x1;
	s10 =	sld [smem:$0x3FB9];
	_ =	sdelay $0x3  }
0x34: {  	[smem:$0x3FB9] =	sst s10  }
0x35: {  	s10 =	sld [smem:$0x3FB8];
	_ =	sdelay $0x3  }
0x36: {  	p1 =	seq.s32 s10, $0x1;
	s10 =	sld [smem:$0x3FB9];
	_ =	sdelay $0x3  }
0x37: {  	[smem:$0x3FB9] =	sst s10  }
0x38: {  	s10 =	sld [smem:$0x3FBA]  }
0x39: {  	_ = 	snop;
	(pc) =	sbr.ind lr, $3  }
0x3a: {  	_ = 	snop  }
0x3b: {  	_ = 	snop  }
0x3c: {  	p2 =	seq.s32 s10, $0x1;
	s10 =	sld [smem:$0x3FB9]  }
0x3d: {  	_ =	shalt  }
0x3e: {  	_ =	shalt  }
0x3f: {  	_ =	shalt  }
0x40: {  	_ =	shalt  }
0x41: {  	_ =	shalt  }
0x42: {  	_ =	shalt  }
0x43: {  	_ =	shalt  }
0x44: {  	_ =	shalt  }
0x45: {  	_ =	shalt  }
0x46: {  	_ =	shalt  }
0x47: {  	_ =	shalt  }
0x48: {  	_ =	shalt  }
0x49: {  	_ =	shalt  }
0x4a: {  	_ =	shalt  }
0x4b: {  	_ =	shalt  }
0x4c: {  	_ =	shalt  }
0x4d: {  	_ =	shalt  }
0x4e: {  	_ =	shalt  }
0x4f: {  	_ =	shalt  }
0x50: {  	_ =	shalt  }
0x51: {  	_ =	shalt  }
0x52: {  	_ =	shalt  }
0x53: {  	_ =	shalt  }
0x54: {  	_ =	shalt  }
0x55: {  	_ =	shalt  }
0x56: {  	_ =	shalt  }
0x57: {  	_ =	shalt  }
0x58: {  	_ =	shalt  }
0x59: {  	_ =	shalt  }
0x5a: {  	_ =	shalt  }
0x5b: {  	_ =	shalt  }
0x5c: {  	_ =	shalt  }
0x5d: {  	_ =	shalt  }
0x5e: {  	_ =	shalt  }
0x5f: {  	_ =	shalt  }
0x60: {  	_ =	shalt  }
0x61: {  	_ =	shalt  }
0x62: {  	_ =	shalt  }
0x63: {  	_ =	shalt  }
0x64: {  	_ =	shalt  }
0x65: {  	_ =	shalt  }
0x66: {  	_ =	shalt  }
0x67: {  	_ =	shalt  }
0x68: {  	_ =	shalt  }
0x69: {  	_ =	shalt  }
0x6a: {  	_ =	shalt  }
0x6b: {  	_ =	shalt  }
0x6c: {  	_ =	shalt  }
0x6d: {  	_ =	shalt  }
0x6e: {  	_ =	shalt  }
0x6f: {  	_ =	shalt  }
0x70: {  	_ =	shalt  }
0x71: {  	_ =	shalt  }
0x72: {  	_ =	shalt  }
0x73: {  	_ =	shalt  }
0x74: {  	_ =	shalt  }
0x75: {  	_ =	shalt  }
0x76: {  	_ =	shalt  }
0x77: {  	_ =	shalt  }
0x78: {  	_ =	shalt  }
0x79: {  	_ =	shalt  }
0x7a: {  	_ =	shalt  }
0x7b: {  	_ =	shalt  }
0x7c: {  	_ =	shalt  }
0x7d: {  	_ =	shalt  }
0x7e: {  	_ =	shalt  }
0x7f: {  	_ =	shalt  }
0x80: {  	_ =	shalt  }
0x81: {  	_ =	shalt  }
0x82: {  	_ =	shalt  }
0x83: {  	_ =	shalt  }
0x84: {  	_ =	shalt  }
0x85: {  	_ =	shalt  }
0x86: {  	_ =	shalt  }
0x87: {  	_ =	shalt  }
.Lfunc_end0:
.L_simem_size_0:
called_computation_lowered:
.L_overlay_start_0:
0x88: {  	s2 =	sld [smem:$0x3FD9]  }
0x89: {  	s3 =	sld [smem:$0x3FFE];
	_ =	sdelay $0x1  }
0x8a: {  	s1 =	srdreg.scid  }
0x8b: {  	s0 =	sand.u32 $0x1, s1  }
0x8c: {  	s18 =	sshll.u32 s0, $0xA;
	s2 =	sadd.s32 s3, s2  }
0x8d: {  	s2 =	sadd.s32 s2, s18  }
0x8e: {  	[smem:$0x3FC5] =	sst s2  }
0x8f: {  	_ = 	snop  }
0x90: {  	s2 =	sld [smem:$0x3FC9]  }
0x91: {  	s19 =	sld [smem:$0x3FC8]  }
0x92: {  	s4 =	sld [smem:$0x3FC7]  }
0x93: {  	s5 =	sld [smem:$0x3FD0];
	(tm) =	ssettm $0x1  }
0x94: {  	s6 =	sld [smem:$0x3FFB];
	_ =	sdelay $0x3  }
0x95: {  	_ =	strace s6  }
0x96: {  	s6 =	sld [smem:$0x3FFC];
	_ =	sdelay $0x3  }
0x97: {  	_ =	strace s6  }
0x98: {  	s6 =	sld [smem:$0x3FFD];
	_ =	sdelay $0x3  }
0x99: {  	_ =	strace s6  }
0x9a: {  	_ =	strace $0x8FFFFFFF  }
0x9b: {  	s20 =	sld [smem:$0x3FDB];
	_ =	sdelay $0x1  }
0x9c: {  	s7 =	simm.s32 $_scs_section_size  }
0x9d: {  	s8 =	simm.s32 $_size__tile_overlayer_lowered;
	s9 =	simm.s32 $_tile_overlayer_lowered  }
0x9e: {  	s23 =	simm.s32 $0x1BFF;
	s22 =	sshll.u32 s9, $0x1;
	s6 =	sadd.s32 s7, s20  }
0x9f: {  	s10 =	simm.s32 $0x0;
	s21 =	sshll.u32 s8, $0x1;
	s8 =	sadd.s32 s22, s6  }
0xa0: {  	[timem:s10], [sflag:s23] =	dma.local [hbm:s8], s21  }
0xa1: {  	_ =	swait.ge [sflag:s23], s21  }
0xa2: {  	s7 =	ssub.s32 $0x0, s21;
	[sflag:s23] =	ssyncset.done $0x0  }
0xa3: {  	[sflag:s23] =	ssyncadd.s32 s7;
	_ =	sdelay $0x1  }
0xa4: {  	s24 =	simm.s32 $0x1B8B  }
0xa5: {  	_ =	swait.ge [sflag:s24], $0x1  }
0xa6: {  	[sflag:s24] =	ssyncset.done $0x0  }
0xa7: {  	s25 =	simm.s32 $0x1B8E;
	[sflag:s24] =	ssyncadd.s32 $0xFFFFFFFF  }
0xa8: {  	s26 =	simm.s32 $execute0_lowered;
	[smem:$0x3FD2] =	sst s25  }
0xa9: {  	s7 =	sshll.u32 s26, $0x1;
	_ =	strace $0x80000046;
	[dreg:$0x1] =	wrdreg $0xFFFFFFFF  }
0xaa: {  	s28 =	simm.s32 $_size_execute0_lowered;
	s6 =	sadd.s32 s6, s7;
	[dreg:$0x0] =	wrdreg $0x0  }
0xab: {  	s7 =	sshll.u32 s28, $0x1;
	[dreg:$0x2] =	wrdreg s6  }
0xac: {  	[dreg:$0x3] =	wrdreg s7  }
0xad: {  	[dreg:$0x4] =	wrdreg $0xC0  }
0xae: {  	_ =	task [dreg:s10], $0x5FFFF  }
0xaf: {  	[dreg:$0x1] =	wrdreg $0xFFFFFFFF  }
0xb0: {  	[dreg:$0x0] =	wrdreg $0x60  }
0xb1: {  	[dreg:$0x2] =	wrdreg s2  }
0xb2: {  	[dreg:$0x3] =	wrdreg s19  }
0xb3: {  	[dreg:$0x4] =	wrdreg s4  }
0xb4: {  	[dreg:$0x5] =	wrdreg s5  }
0xb5: {  	[dreg:$0x6] =	wrdreg $0x9  }
0xb6: {  	_ =	task.clear_ibuf [dreg:s10], $0x7FFFF;
	_ =	strace $0x90000046  }
0xb7: {  	s29 =	simm.s32 $0x9;
	_ =	strace $0x80000048  }
0xb8: {  	_ =	swait.ge [sflag:s29], $0x1  }
0xb9: {  	[sflag:s29] =	ssyncadd.s32 $0xFFFFFFFF  }
0xba: {  	_ =	strace $0x90000048  }
0xbb: {  	_ =	sfence  }
0xbc: {  	s30 =	sld [smem:$0x0];
	_ =	sdelay $0x2  }
0xbd: {  	s31 =	sshll.u32 s1, $0xD;
	s1 =	sshrl.u32 s1, $0x2  }
0xbe: {  	s3 =	sand.u32 $0x4000, s31;
	s1 =	sadd.s32 s1, s30  }
0xbf: {  	s0 =	sor.u32 s3, s0;
	s1 =	sshll.u32 s1, $0x11  }
0xc0: {  	s0 =	sor.u32 s1, s0  }
0xc1: {  	s0 =	sadd.s32 $0x8F2B, s0  }
0xc2: {  	[sflag:s0] =	ssyncadd.remote.s32 $0x1  }
0xc3: {  	_ =	sfence.sel $0xFFFF  }
0xc4: {  	[dreg:$0x0] =	wrdreg $0xFFFFFFFF;
	(pc) =	sbr.abs _section_cstart, $3  }
0xc5: {  	[dreg:$0x1] =	wrdreg $0xFFFFFFFF  }
0xc6: {  	_ =	task.clear_ibuf [dreg:s10], $0x2FFFF;
	_ =	strace $0x9FFFFFFF  }
0xc7: {  	(tm) =	ssettm $0x7FFFFFFF  }
tec
execute0_lowered:
.L_overlay_start_1:
0x0: {  	(tag) =	ssettag $0x1  }
0x1: {  	s0 =	rddreg [dreg:$0x0]  }
0x2: {  	s2 =	rddreg [dreg:$0x1]  }
0x3: {  	s3 =	rddreg [dreg:$0x2];
	s1 =	srdreg.scid  }
0x4: {  	s5 =	rddreg [dreg:$0x3];
	v0 =	vlaneseq.u32;
	s4 =	stileid.u32  }
0x5: {  	s6 =	simm.s32 $0x0;
	s11 =	simm.s32 $0x50;
	s12 =	simm.s32 $0x100;
	v0 =	vmul.u32 $0x10, v0  }
0x6: {  	s13 =	simm.s32 $0x2900;
	s14 =	simm.s32 $0x1;
	s15 =	simm.s32 $0x5100  }
0x7: {  	s16 =	simm.s32 $0x5200;
	s17 =	simm.s32 $0x0;
	s7 =	sand.u32 $0x1, s1;
	v1 =	vor.u32 $0x1, v0;
	v2 =	vor.u32 $0x2, v0;
	v3 =	vor.u32 $0x3, v0  }
0x8: {  	s1 =	rddreg [dreg:$0x4];
	s10 =	sshll.u32 s4, $0x1;
	s8 =	ssub.s32 $0x2, s7;
	v4 =	vor.u32 $0x4, v0;
	v5 =	vor.u32 $0x5, v0;
	v6 =	vor.u32 $0x6, v0  }
0x9: {  	[smem:$0x7FF] =	sst s6;
	s7 =	sor.u32 s7, s10;
	s9 =	sshrl.u32 s8, $0x1;
	v7 =	vor.u32 $0x7, v0;
	v8 =	vor.u32 $0x8, v0;
	v9 =	vor.u32 $0x9, v0  }
0xa: {  	_ =	strace $0x80000047;
	s10 =	simm.s32 $0x80;
	v10 =	vor.u32 $0xA, v0;
	v11 =	vor.u32 $0xB, v0;
	v12 =	vor.u32 $0xC, v0;
	s8 =	ssub.s32 s8, s9  }
0xb: {  	s7 =	smul.u32 $0x2710, s7;
	v13 =	vor.u32 $0xD, v0;
	v14 =	vor.u32 $0xE, v0;
	v15 =	vor.u32 $0xF, v0;
	s9 =	simm.s32 $0x2;
	s8 =	smax.u32 s8, $0x1  }
.LBB2_1:
0xc: {  	s18 =	simm.s32 $0x0  }
.LBB2_2:
0xd: {  	s19 =	smul.u32 $0x50, s18;
	_ =	sdelay $0x1  }
0xe: {  	s19 =	sadd.s32 s7, s19  }
0xf: {  	s19 =	sshrl.u32 s19, $0x3  }
0x10: {  	s20 =	simm.s32 $0x0;
	s21 =	sadd.s32 s2, s19  }
0x11: {  	[tilespmem:s20], [sflag:$0x2] =	stream.linear.gather [hbm4b:s21+s20], $0x50, $0x38;
	[tilespmem:$0x5280] =	vst v63  }
0x12: {  	_ =	swait.ge [sflag:s9], $0x50  }
0x13: {  	[sflag:s9] =	ssyncset.done $0x0  }
0x14: {  	s31 =	sadd.s32 s3, s19;
	[sflag:s9] =	ssyncadd.s32 $0xFFFFFFB0  }
0x15: {  	[tilespmem:s10], [sflag:$0x2] =	stream.linear.gather [hbm4b:s31+s20], $0x50, $0x38;
	[tilespmem:$0x5280] =	vst v63  }
0x16: {  	_ =	swait.ge [sflag:s9], $0x50  }
0x17: {  	[sflag:s9] =	ssyncset.done $0x0  }
0x18: {  	[sflag:s9] =	ssyncadd.s32 $0xFFFFFFB0  }
0x19: {  	[tilespmem:s12], [sflag:$0x1] =	stream.indirect.gather [hbm4b:s0+s11], $0x80, s20, s11, $0xb8;
	[tilespmem:$0x5280] =	vst v63  }
0x1a: {  	_ = 	snop  }
0x1b: {  	[tilespmem:s13], [sflag:$0x1] =	stream.indirect.gather [hbm4b:s0+s11], $0x80, s10, s11, $0xb8;
	[tilespmem:$0x5280] =	vst v63  }
0x1c: {  	_ =	swait.ge [sflag:s14], $0x2800  }
0x1d: {  	[sflag:s14] =	ssyncset.done $0x0  }
0x1e: {  	[sflag:s14] =	ssyncadd.s32 $0xFFFFD800  }
0x1f: {  	_ =	swait.ge [sflag:s14], $0x2800  }
0x20: {  	[sflag:s14] =	ssyncset.done $0x0  }
0x21: {  	[sflag:s14] =	ssyncadd.s32 $0xFFFFD800  }
.LBB2_3:
0x22: {  	s21 =	sshll.u32 s20, $0xB  }
0x23: {  	v16 =	vld [tilespmem:s21+$0x100]  }
0x24: {  	v17 =	vld [tilespmem:s21+$0x2900]  }
0x25: {  	v18 =	vld [tilespmem:s21+$0x110]  }
0x26: {  	v19 =	vld [tilespmem:s21+$0x2910]  }
0x27: {  	v20 =	vld [tilespmem:s21+$0x120]  }
0x28: {  	v21 =	vld [tilespmem:s21+$0x2920]  }
0x29: {  	v22 =	vld [tilespmem:s21+$0x130]  }
0x2a: {  	v23 =	vld [tilespmem:s21+$0x2930]  }
0x2b: {  	v36 =	vld [tilespmem:s21+$0x140];
	v16 =	vmul.f32 v17, v16;
	v17 =	vmul.f32 v19, v18  }
0x2c: {  	v37 =	vld [tilespmem:s21+$0x2940]  }
0x2d: {  	v38 =	vld [tilespmem:s21+$0x150];
	v16 =	vadd.f32 v17, v16;
	v17 =	vmul.f32 v21, v20  }
0x2e: {  	v39 =	vld [tilespmem:s21+$0x2950]  }
0x2f: {  	v40 =	vld [tilespmem:s21+$0x160];
	v16 =	vadd.f32 v17, v16;
	v17 =	vmul.f32 v23, v22  }
0x30: {  	v41 =	vld [tilespmem:s21+$0x2960]  }
0x31: {  	v42 =	vld [tilespmem:s21+$0x170];
	v16 =	vadd.f32 v17, v16;
	v17 =	vmul.f32 v37, v36  }
0x32: {  	v43 =	vld [tilespmem:s21+$0x2970]  }
0x33: {  	v16 =	vadd.f32 v17, v16;
	v17 =	vmul.f32 v39, v38;
	_ =	sdelay $0x1  }
0x34: {  	v16 =	vadd.f32 v17, v16;
	v17 =	vmul.f32 v41, v40;
	_ =	sdelay $0x1  }
0x35: {  	v16 =	vadd.f32 v17, v16;
	v17 =	vmul.f32 v43, v42;
	_ =	sdelay $0x1  }
0x36: {  	v16 =	vadd.f32 v17, v16;
	_ =	sdelay $0x1  }
0x37: {  	[tilespmem:$0x5100] =	vst v16  }
0x38: {  	v16 =	vld [tilespmem:s21+$0x180]  }
0x39: {  	v17 =	vld [tilespmem:s21+$0x2980]  }
0x3a: {  	v44 =	vld [tilespmem:s21+$0x190]  }
0x3b: {  	v45 =	vld [tilespmem:s21+$0x2990]  }
0x3c: {  	v46 =	vld [tilespmem:s21+$0x1A0]  }
0x3d: {  	v47 =	vld [tilespmem:s21+$0x29A0]  }
0x3e: {  	v48 =	vld [tilespmem:s21+$0x1B0]  }
0x3f: {  	v49 =	vld [tilespmem:s21+$0x29B0]  }
0x40: {  	v50 =	vld [tilespmem:s21+$0x1C0];
	v16 =	vmul.f32 v17, v16;
	v17 =	vmul.f32 v45, v44  }
0x41: {  	v51 =	vld [tilespmem:s21+$0x29C0]  }
0x42: {  	v52 =	vld [tilespmem:s21+$0x1D0];
	v16 =	vadd.f32 v17, v16;
	v17 =	vmul.f32 v47, v46  }
0x43: {  	v53 =	vld [tilespmem:s21+$0x29D0]  }
0x44: {  	v54 =	vld [tilespmem:s21+$0x1E0];
	v16 =	vadd.f32 v17, v16;
	v17 =	vmul.f32 v49, v48  }
0x45: {  	v55 =	vld [tilespmem:s21+$0x29E0]  }
0x46: {  	v56 =	vld [tilespmem:s21+$0x1F0];
	v16 =	vadd.f32 v17, v16;
	v17 =	vmul.f32 v51, v50  }
0x47: {  	v57 =	vld [tilespmem:s21+$0x29F0]  }
0x48: {  	v16 =	vadd.f32 v17, v16;
	v17 =	vmul.f32 v53, v52;
	_ =	sdelay $0x1  }
0x49: {  	v16 =	vadd.f32 v17, v16;
	v17 =	vmul.f32 v55, v54;
	_ =	sdelay $0x1  }
0x4a: {  	v16 =	vadd.f32 v17, v16;
	v17 =	vmul.f32 v57, v56;
	_ =	sdelay $0x1  }
0x4b: {  	v16 =	vadd.f32 v17, v16;
	_ =	sdelay $0x1  }
0x4c: {  	[tilespmem:$0x5110] =	vst v16  }
0x4d: {  	v16 =	vld [tilespmem:s21+$0x200]  }
0x4e: {  	v17 =	vld [tilespmem:s21+$0x2A00]  }
0x4f: {  	v58 =	vld [tilespmem:s21+$0x210]  }
0x50: {  	v59 =	vld [tilespmem:s21+$0x2A10]  }
0x51: {  	v60 =	vld [tilespmem:s21+$0x220]  }
0x52: {  	v61 =	vld [tilespmem:s21+$0x2A20]  }
0x53: {  	v62 =	vld [tilespmem:s21+$0x230]  }
0x54: {  	v63 =	vld [tilespmem:s21+$0x2A30]  }
0x55: {  	v24 =	vld [tilespmem:s21+$0x240];
	v16 =	vmul.f32 v17, v16;
	v17 =	vmul.f32 v59, v58  }
0x56: {  	v25 =	vld [tilespmem:s21+$0x2A40]  }
0x57: {  	v26 =	vld [tilespmem:s21+$0x250];
	v16 =	vadd.f32 v17, v16;
	v17 =	vmul.f32 v61, v60  }
0x58: {  	v27 =	vld [tilespmem:s21+$0x2A50]  }
0x59: {  	v28 =	vld [tilespmem:s21+$0x260];
	v16 =	vadd.f32 v17, v16;
	v17 =	vmul.f32 v63, v62  }
0x5a: {  	v29 =	vld [tilespmem:s21+$0x2A60]  }
0x5b: {  	v30 =	vld [tilespmem:s21+$0x270];
	v16 =	vadd.f32 v17, v16;
	v17 =	vmul.f32 v25, v24  }
0x5c: {  	v31 =	vld [tilespmem:s21+$0x2A70]  }
0x5d: {  	v16 =	vadd.f32 v17, v16;
	v17 =	vmul.f32 v27, v26;
	_ =	sdelay $0x1  }
0x5e: {  	v16 =	vadd.f32 v17, v16;
	v17 =	vmul.f32 v29, v28;
	_ =	sdelay $0x1  }
0x5f: {  	v16 =	vadd.f32 v17, v16;
	v17 =	vmul.f32 v31, v30;
	_ =	sdelay $0x1  }
0x60: {  	v16 =	vadd.f32 v17, v16;
	_ =	sdelay $0x1  }
0x61: {  	[tilespmem:$0x5120] =	vst v16  }
0x62: {  	v16 =	vld [tilespmem:s21+$0x280]  }
0x63: {  	v17 =	vld [tilespmem:s21+$0x2A80]  }
0x64: {  	v32 =	vld [tilespmem:s21+$0x290]  }
0x65: {  	v33 =	vld [tilespmem:s21+$0x2A90]  }
0x66: {  	v34 =	vld [tilespmem:s21+$0x2A0]  }
0x67: {  	v35 =	vld [tilespmem:s21+$0x2AA0]  }
0x68: {  	v36 =	vld [tilespmem:s21+$0x2B0]  }
0x69: {  	v37 =	vld [tilespmem:s21+$0x2AB0]  }
0x6a: {  	v38 =	vld [tilespmem:s21+$0x2C0];
	v16 =	vmul.f32 v17, v16;
	v17 =	vmul.f32 v33, v32  }
0x6b: {  	v39 =	vld [tilespmem:s21+$0x2AC0]  }
0x6c: {  	v40 =	vld [tilespmem:s21+$0x2D0];
	v16 =	vadd.f32 v17, v16;
	v17 =	vmul.f32 v35, v34  }
0x6d: {  	v41 =	vld [tilespmem:s21+$0x2AD0]  }
0x6e: {  	v42 =	vld [tilespmem:s21+$0x2E0];
	v16 =	vadd.f32 v17, v16;
	v17 =	vmul.f32 v37, v36  }
0x6f: {  	v43 =	vld [tilespmem:s21+$0x2AE0]  }
0x70: {  	v44 =	vld [tilespmem:s21+$0x2F0];
	v16 =	vadd.f32 v17, v16;
	v17 =	vmul.f32 v39, v38  }
0x71: {  	v45 =	vld [tilespmem:s21+$0x2AF0]  }
0x72: {  	v16 =	vadd.f32 v17, v16;
	v17 =	vmul.f32 v41, v40;
	_ =	sdelay $0x1  }
0x73: {  	v16 =	vadd.f32 v17, v16;
	v17 =	vmul.f32 v43, v42;
	_ =	sdelay $0x1  }
0x74: {  	v16 =	vadd.f32 v17, v16;
	v17 =	vmul.f32 v45, v44;
	_ =	sdelay $0x1  }
0x75: {  	v16 =	vadd.f32 v17, v16;
	_ =	sdelay $0x1  }
0x76: {  	[tilespmem:$0x5130] =	vst v16  }
0x77: {  	v16 =	vld [tilespmem:s21+$0x300]  }
0x78: {  	v17 =	vld [tilespmem:s21+$0x2B00]  }
0x79: {  	v46 =	vld [tilespmem:s21+$0x310]  }
0x7a: {  	v47 =	vld [tilespmem:s21+$0x2B10]  }
0x7b: {  	v48 =	vld [tilespmem:s21+$0x320]  }
0x7c: {  	v49 =	vld [tilespmem:s21+$0x2B20]  }
0x7d: {  	v50 =	vld [tilespmem:s21+$0x330]  }
0x7e: {  	v51 =	vld [tilespmem:s21+$0x2B30]  }
0x7f: {  	v52 =	vld [tilespmem:s21+$0x340];
	v16 =	vmul.f32 v17, v16;
	v17 =	vmul.f32 v47, v46  }
0x80: {  	v53 =	vld [tilespmem:s21+$0x2B40]  }
0x81: {  	v54 =	vld [tilespmem:s21+$0x350];
	v16 =	vadd.f32 v17, v16;
	v17 =	vmul.f32 v49, v48  }
0x82: {  	v55 =	vld [tilespmem:s21+$0x2B50]  }
0x83: {  	v56 =	vld [tilespmem:s21+$0x360];
	v16 =	vadd.f32 v17, v16;
	v17 =	vmul.f32 v51, v50  }
0x84: {  	v57 =	vld [tilespmem:s21+$0x2B60]  }
0x85: {  	v58 =	vld [tilespmem:s21+$0x370];
	v16 =	vadd.f32 v17, v16;
	v17 =	vmul.f32 v53, v52  }
0x86: {  	v59 =	vld [tilespmem:s21+$0x2B70]  }
0x87: {  	v16 =	vadd.f32 v17, v16;
	v17 =	vmul.f32 v55, v54;
	_ =	sdelay $0x1  }
0x88: {  	v16 =	vadd.f32 v17, v16;
	v17 =	vmul.f32 v57, v56;
	_ =	sdelay $0x1  }
0x89: {  	v16 =	vadd.f32 v17, v16;
	v17 =	vmul.f32 v59, v58;
	_ =	sdelay $0x1  }
0x8a: {  	v16 =	vadd.f32 v17, v16;
	_ =	sdelay $0x1  }
0x8b: {  	[tilespmem:$0x5140] =	vst v16  }
0x8c: {  	v16 =	vld [tilespmem:s21+$0x380]  }
0x8d: {  	v17 =	vld [tilespmem:s21+$0x2B80]  }
0x8e: {  	v60 =	vld [tilespmem:s21+$0x390]  }
0x8f: {  	v61 =	vld [tilespmem:s21+$0x2B90]  }
0x90: {  	v62 =	vld [tilespmem:s21+$0x3A0]  }
0x91: {  	v63 =	vld [tilespmem:s21+$0x2BA0]  }
0x92: {  	v24 =	vld [tilespmem:s21+$0x3B0]  }
0x93: {  	v25 =	vld [tilespmem:s21+$0x2BB0]  }
0x94: {  	v26 =	vld [tilespmem:s21+$0x3C0];
	v16 =	vmul.f32 v17, v16;
	v17 =	vmul.f32 v61, v60  }
0x95: {  	v27 =	vld [tilespmem:s21+$0x2BC0]  }
0x96: {  	v28 =	vld [tilespmem:s21+$0x3D0];
	v16 =	vadd.f32 v17, v16;
	v17 =	vmul.f32 v63, v62  }
0x97: {  	v29 =	vld [tilespmem:s21+$0x2BD0]  }
0x98: {  	v30 =	vld [tilespmem:s21+$0x3E0];
	v16 =	vadd.f32 v17, v16;
	v17 =	vmul.f32 v25, v24  }
0x99: {  	v31 =	vld [tilespmem:s21+$0x2BE0]  }
0x9a: {  	v32 =	vld [tilespmem:s21+$0x3F0];
	v16 =	vadd.f32 v17, v16;
	v17 =	vmul.f32 v27, v26  }
0x9b: {  	v33 =	vld [tilespmem:s21+$0x2BF0]  }
0x9c: {  	v16 =	vadd.f32 v17, v16;
	v17 =	vmul.f32 v29, v28;
	_ =	sdelay $0x1  }
0x9d: {  	v16 =	vadd.f32 v17, v16;
	v17 =	vmul.f32 v31, v30;
	_ =	sdelay $0x1  }
0x9e: {  	v16 =	vadd.f32 v17, v16;
	v17 =	vmul.f32 v33, v32;
	_ =	sdelay $0x1  }
0x9f: {  	v16 =	vadd.f32 v17, v16;
	_ =	sdelay $0x1  }
0xa0: {  	[tilespmem:$0x5150] =	vst v16  }
0xa1: {  	v16 =	vld [tilespmem:s21+$0x400]  }
0xa2: {  	v17 =	vld [tilespmem:s21+$0x2C00]  }
0xa3: {  	v34 =	vld [tilespmem:s21+$0x410]  }
0xa4: {  	v35 =	vld [tilespmem:s21+$0x2C10]  }
0xa5: {  	v36 =	vld [tilespmem:s21+$0x420]  }
0xa6: {  	v37 =	vld [tilespmem:s21+$0x2C20]  }
0xa7: {  	v38 =	vld [tilespmem:s21+$0x430]  }
0xa8: {  	v39 =	vld [tilespmem:s21+$0x2C30]  }
0xa9: {  	v40 =	vld [tilespmem:s21+$0x440];
	v16 =	vmul.f32 v17, v16;
	v17 =	vmul.f32 v35, v34  }
0xaa: {  	v41 =	vld [tilespmem:s21+$0x2C40]  }
0xab: {  	v42 =	vld [tilespmem:s21+$0x450];
	v16 =	vadd.f32 v17, v16;
	v17 =	vmul.f32 v37, v36  }
0xac: {  	v43 =	vld [tilespmem:s21+$0x2C50]  }
0xad: {  	v44 =	vld [tilespmem:s21+$0x460];
	v16 =	vadd.f32 v17, v16;
	v17 =	vmul.f32 v39, v38  }
0xae: {  	v45 =	vld [tilespmem:s21+$0x2C60]  }
0xaf: {  	v46 =	vld [tilespmem:s21+$0x470];
	v16 =	vadd.f32 v17, v16;
	v17 =	vmul.f32 v41, v40  }
0xb0: {  	v47 =	vld [tilespmem:s21+$0x2C70]  }
0xb1: {  	v16 =	vadd.f32 v17, v16;
	v17 =	vmul.f32 v43, v42;
	_ =	sdelay $0x1  }
0xb2: {  	v16 =	vadd.f32 v17, v16;
	v17 =	vmul.f32 v45, v44;
	_ =	sdelay $0x1  }
0xb3: {  	v16 =	vadd.f32 v17, v16;
	v17 =	vmul.f32 v47, v46;
	_ =	sdelay $0x1  }
0xb4: {  	v16 =	vadd.f32 v17, v16;
	_ =	sdelay $0x1  }
0xb5: {  	[tilespmem:$0x5160] =	vst v16  }
0xb6: {  	v16 =	vld [tilespmem:s21+$0x480]  }
0xb7: {  	v17 =	vld [tilespmem:s21+$0x2C80]  }
0xb8: {  	v48 =	vld [tilespmem:s21+$0x490]  }
0xb9: {  	v49 =	vld [tilespmem:s21+$0x2C90]  }
0xba: {  	v50 =	vld [tilespmem:s21+$0x4A0]  }
0xbb: {  	v51 =	vld [tilespmem:s21+$0x2CA0]  }
0xbc: {  	v52 =	vld [tilespmem:s21+$0x4B0]  }
0xbd: {  	v53 =	vld [tilespmem:s21+$0x2CB0]  }
0xbe: {  	v54 =	vld [tilespmem:s21+$0x4C0];
	v16 =	vmul.f32 v17, v16;
	v17 =	vmul.f32 v49, v48  }
0xbf: {  	v55 =	vld [tilespmem:s21+$0x2CC0]  }
0xc0: {  	v56 =	vld [tilespmem:s21+$0x4D0];
	v16 =	vadd.f32 v17, v16;
	v17 =	vmul.f32 v51, v50  }
0xc1: {  	v57 =	vld [tilespmem:s21+$0x2CD0]  }
0xc2: {  	v58 =	vld [tilespmem:s21+$0x4E0];
	v16 =	vadd.f32 v17, v16;
	v17 =	vmul.f32 v53, v52  }
0xc3: {  	v59 =	vld [tilespmem:s21+$0x2CE0]  }
0xc4: {  	v60 =	vld [tilespmem:s21+$0x4F0];
	v16 =	vadd.f32 v17, v16;
	v17 =	vmul.f32 v55, v54  }
0xc5: {  	v61 =	vld [tilespmem:s21+$0x2CF0]  }
0xc6: {  	v16 =	vadd.f32 v17, v16;
	v17 =	vmul.f32 v57, v56;
	_ =	sdelay $0x1  }
0xc7: {  	v16 =	vadd.f32 v17, v16;
	v17 =	vmul.f32 v59, v58;
	_ =	sdelay $0x1  }
0xc8: {  	v16 =	vadd.f32 v17, v16;
	v17 =	vmul.f32 v61, v60;
	_ =	sdelay $0x1  }
0xc9: {  	v16 =	vadd.f32 v17, v16;
	_ =	sdelay $0x1  }
0xca: {  	[tilespmem:$0x5170] =	vst v16  }
0xcb: {  	v16 =	vld [tilespmem:s21+$0x500]  }
0xcc: {  	v17 =	vld [tilespmem:s21+$0x2D00]  }
0xcd: {  	v62 =	vld [tilespmem:s21+$0x510]  }
0xce: {  	v63 =	vld [tilespmem:s21+$0x2D10]  }
0xcf: {  	v24 =	vld [tilespmem:s21+$0x520]  }
0xd0: {  	v25 =	vld [tilespmem:s21+$0x2D20]  }
0xd1: {  	v26 =	vld [tilespmem:s21+$0x530]  }
0xd2: {  	v27 =	vld [tilespmem:s21+$0x2D30]  }
0xd3: {  	v28 =	vld [tilespmem:s21+$0x540];
	v16 =	vmul.f32 v17, v16;
	v17 =	vmul.f32 v63, v62  }
0xd4: {  	v29 =	vld [tilespmem:s21+$0x2D40]  }
0xd5: {  	v30 =	vld [tilespmem:s21+$0x550];
	v16 =	vadd.f32 v17, v16;
	v17 =	vmul.f32 v25, v24  }
0xd6: {  	v31 =	vld [tilespmem:s21+$0x2D50]  }
0xd7: {  	v32 =	vld [tilespmem:s21+$0x560];
	v16 =	vadd.f32 v17, v16;
	v17 =	vmul.f32 v27, v26  }
0xd8: {  	v33 =	vld [tilespmem:s21+$0x2D60]  }
0xd9: {  	v34 =	vld [tilespmem:s21+$0x570];
	v16 =	vadd.f32 v17, v16;
	v17 =	vmul.f32 v29, v28  }
0xda: {  	v35 =	vld [tilespmem:s21+$0x2D70]  }
0xdb: {  	v16 =	vadd.f32 v17, v16;
	v17 =	vmul.f32 v31, v30;
	_ =	sdelay $0x1  }
0xdc: {  	v16 =	vadd.f32 v17, v16;
	v17 =	vmul.f32 v33, v32;
	_ =	sdelay $0x1  }
0xdd: {  	v16 =	vadd.f32 v17, v16;
	v17 =	vmul.f32 v35, v34;
	_ =	sdelay $0x1  }
0xde: {  	v16 =	vadd.f32 v17, v16;
	_ =	sdelay $0x1  }
0xdf: {  	[tilespmem:$0x5180] =	vst v16  }
0xe0: {  	v16 =	vld [tilespmem:s21+$0x580]  }
0xe1: {  	v17 =	vld [tilespmem:s21+$0x2D80]  }
0xe2: {  	v36 =	vld [tilespmem:s21+$0x590]  }
0xe3: {  	v37 =	vld [tilespmem:s21+$0x2D90]  }
0xe4: {  	v38 =	vld [tilespmem:s21+$0x5A0]  }
0xe5: {  	v39 =	vld [tilespmem:s21+$0x2DA0]  }
0xe6: {  	v40 =	vld [tilespmem:s21+$0x5B0]  }
0xe7: {  	v41 =	vld [tilespmem:s21+$0x2DB0]  }
0xe8: {  	v42 =	vld [tilespmem:s21+$0x5C0];
	v16 =	vmul.f32 v17, v16;
	v17 =	vmul.f32 v37, v36  }
0xe9: {  	v43 =	vld [tilespmem:s21+$0x2DC0]  }
0xea: {  	v44 =	vld [tilespmem:s21+$0x5D0];
	v16 =	vadd.f32 v17, v16;
	v17 =	vmul.f32 v39, v38  }
0xeb: {  	v45 =	vld [tilespmem:s21+$0x2DD0]  }
0xec: {  	v46 =	vld [tilespmem:s21+$0x5E0];
	v16 =	vadd.f32 v17, v16;
	v17 =	vmul.f32 v41, v40  }
0xed: {  	v47 =	vld [tilespmem:s21+$0x2DE0]  }
0xee: {  	v48 =	vld [tilespmem:s21+$0x5F0];
	v16 =	vadd.f32 v17, v16;
	v17 =	vmul.f32 v43, v42  }
0xef: {  	v49 =	vld [tilespmem:s21+$0x2DF0]  }
0xf0: {  	v16 =	vadd.f32 v17, v16;
	v17 =	vmul.f32 v45, v44;
	_ =	sdelay $0x1  }
0xf1: {  	v16 =	vadd.f32 v17, v16;
	v17 =	vmul.f32 v47, v46;
	_ =	sdelay $0x1  }
0xf2: {  	v16 =	vadd.f32 v17, v16;
	v17 =	vmul.f32 v49, v48;
	_ =	sdelay $0x1  }
0xf3: {  	v16 =	vadd.f32 v17, v16;
	_ =	sdelay $0x1  }
0xf4: {  	[tilespmem:$0x5190] =	vst v16  }
0xf5: {  	v16 =	vld [tilespmem:s21+$0x600]  }
0xf6: {  	v17 =	vld [tilespmem:s21+$0x2E00]  }
0xf7: {  	v50 =	vld [tilespmem:s21+$0x610]  }
0xf8: {  	v51 =	vld [tilespmem:s21+$0x2E10]  }
0xf9: {  	v52 =	vld [tilespmem:s21+$0x620]  }
0xfa: {  	v53 =	vld [tilespmem:s21+$0x2E20]  }
0xfb: {  	v54 =	vld [tilespmem:s21+$0x630]  }
0xfc: {  	v55 =	vld [tilespmem:s21+$0x2E30]  }
0xfd: {  	v56 =	vld [tilespmem:s21+$0x640];
	v16 =	vmul.f32 v17, v16;
	v17 =	vmul.f32 v51, v50  }
0xfe: {  	v57 =	vld [tilespmem:s21+$0x2E40]  }
0xff: {  	v58 =	vld [tilespmem:s21+$0x650];
	v16 =	vadd.f32 v17, v16;
	v17 =	vmul.f32 v53, v52  }
0x100: {  	v59 =	vld [tilespmem:s21+$0x2E50]  }
0x101: {  	v60 =	vld [tilespmem:s21+$0x660];
	v16 =	vadd.f32 v17, v16;
	v17 =	vmul.f32 v55, v54  }
0x102: {  	v61 =	vld [tilespmem:s21+$0x2E60]  }
0x103: {  	v62 =	vld [tilespmem:s21+$0x670];
	v16 =	vadd.f32 v17, v16;
	v17 =	vmul.f32 v57, v56  }
0x104: {  	v63 =	vld [tilespmem:s21+$0x2E70]  }
0x105: {  	v16 =	vadd.f32 v17, v16;
	v17 =	vmul.f32 v59, v58;
	_ =	sdelay $0x1  }
0x106: {  	v16 =	vadd.f32 v17, v16;
	v17 =	vmul.f32 v61, v60;
	_ =	sdelay $0x1  }
0x107: {  	v16 =	vadd.f32 v17, v16;
	v17 =	vmul.f32 v63, v62;
	_ =	sdelay $0x1  }
0x108: {  	v16 =	vadd.f32 v17, v16;
	_ =	sdelay $0x1  }
0x109: {  	[tilespmem:$0x51A0] =	vst v16  }
0x10a: {  	v16 =	vld [tilespmem:s21+$0x680]  }
0x10b: {  	v17 =	vld [tilespmem:s21+$0x2E80]  }
0x10c: {  	v24 =	vld [tilespmem:s21+$0x690]  }
0x10d: {  	v25 =	vld [tilespmem:s21+$0x2E90]  }
0x10e: {  	v26 =	vld [tilespmem:s21+$0x6A0]  }
0x10f: {  	v27 =	vld [tilespmem:s21+$0x2EA0]  }
0x110: {  	v28 =	vld [tilespmem:s21+$0x6B0]  }
0x111: {  	v29 =	vld [tilespmem:s21+$0x2EB0]  }
0x112: {  	v30 =	vld [tilespmem:s21+$0x6C0];
	v16 =	vmul.f32 v17, v16;
	v17 =	vmul.f32 v25, v24  }
0x113: {  	v31 =	vld [tilespmem:s21+$0x2EC0]  }
0x114: {  	v32 =	vld [tilespmem:s21+$0x6D0];
	v16 =	vadd.f32 v17, v16;
	v17 =	vmul.f32 v27, v26  }
0x115: {  	v33 =	vld [tilespmem:s21+$0x2ED0]  }
0x116: {  	v34 =	vld [tilespmem:s21+$0x6E0];
	v16 =	vadd.f32 v17, v16;
	v17 =	vmul.f32 v29, v28  }
0x117: {  	v35 =	vld [tilespmem:s21+$0x2EE0]  }
0x118: {  	v36 =	vld [tilespmem:s21+$0x6F0];
	v16 =	vadd.f32 v17, v16;
	v17 =	vmul.f32 v31, v30  }
0x119: {  	v37 =	vld [tilespmem:s21+$0x2EF0]  }
0x11a: {  	v16 =	vadd.f32 v17, v16;
	v17 =	vmul.f32 v33, v32;
	_ =	sdelay $0x1  }
0x11b: {  	v16 =	vadd.f32 v17, v16;
	v17 =	vmul.f32 v35, v34;
	_ =	sdelay $0x1  }
0x11c: {  	v16 =	vadd.f32 v17, v16;
	v17 =	vmul.f32 v37, v36;
	_ =	sdelay $0x1  }
0x11d: {  	v16 =	vadd.f32 v17, v16;
	_ =	sdelay $0x1  }
0x11e: {  	[tilespmem:$0x51B0] =	vst v16  }
0x11f: {  	v16 =	vld [tilespmem:s21+$0x700]  }
0x120: {  	v17 =	vld [tilespmem:s21+$0x2F00]  }
0x121: {  	v38 =	vld [tilespmem:s21+$0x710]  }
0x122: {  	v39 =	vld [tilespmem:s21+$0x2F10]  }
0x123: {  	v40 =	vld [tilespmem:s21+$0x720]  }
0x124: {  	v41 =	vld [tilespmem:s21+$0x2F20]  }
0x125: {  	v42 =	vld [tilespmem:s21+$0x730]  }
0x126: {  	v43 =	vld [tilespmem:s21+$0x2F30]  }
0x127: {  	v44 =	vld [tilespmem:s21+$0x740];
	v16 =	vmul.f32 v17, v16;
	v17 =	vmul.f32 v39, v38  }
0x128: {  	v45 =	vld [tilespmem:s21+$0x2F40]  }
0x129: {  	v46 =	vld [tilespmem:s21+$0x750];
	v16 =	vadd.f32 v17, v16;
	v17 =	vmul.f32 v41, v40  }
0x12a: {  	v47 =	vld [tilespmem:s21+$0x2F50]  }
0x12b: {  	v48 =	vld [tilespmem:s21+$0x760];
	v16 =	vadd.f32 v17, v16;
	v17 =	vmul.f32 v43, v42  }
0x12c: {  	v49 =	vld [tilespmem:s21+$0x2F60]  }
0x12d: {  	v50 =	vld [tilespmem:s21+$0x770];
	v16 =	vadd.f32 v17, v16;
	v17 =	vmul.f32 v45, v44  }
0x12e: {  	v51 =	vld [tilespmem:s21+$0x2F70]  }
0x12f: {  	v16 =	vadd.f32 v17, v16;
	v17 =	vmul.f32 v47, v46;
	_ =	sdelay $0x1  }
0x130: {  	v16 =	vadd.f32 v17, v16;
	v17 =	vmul.f32 v49, v48;
	_ =	sdelay $0x1  }
0x131: {  	v16 =	vadd.f32 v17, v16;
	v17 =	vmul.f32 v51, v50;
	_ =	sdelay $0x1  }
0x132: {  	v16 =	vadd.f32 v17, v16;
	_ =	sdelay $0x1  }
0x133: {  	[tilespmem:$0x51C0] =	vst v16  }
0x134: {  	v16 =	vld [tilespmem:s21+$0x780]  }
0x135: {  	v17 =	vld [tilespmem:s21+$0x2F80]  }
0x136: {  	v52 =	vld [tilespmem:s21+$0x790]  }
0x137: {  	v53 =	vld [tilespmem:s21+$0x2F90]  }
0x138: {  	v54 =	vld [tilespmem:s21+$0x7A0]  }
0x139: {  	v55 =	vld [tilespmem:s21+$0x2FA0]  }
0x13a: {  	v56 =	vld [tilespmem:s21+$0x7B0]  }
0x13b: {  	v57 =	vld [tilespmem:s21+$0x2FB0]  }
0x13c: {  	v58 =	vld [tilespmem:s21+$0x7C0];
	v16 =	vmul.f32 v17, v16;
	v17 =	vmul.f32 v53, v52  }
0x13d: {  	v59 =	vld [tilespmem:s21+$0x2FC0]  }
0x13e: {  	v60 =	vld [tilespmem:s21+$0x7D0];
	v16 =	vadd.f32 v17, v16;
	v17 =	vmul.f32 v55, v54  }
0x13f: {  	v61 =	vld [tilespmem:s21+$0x2FD0]  }
0x140: {  	v62 =	vld [tilespmem:s21+$0x7E0];
	v16 =	vadd.f32 v17, v16;
	v17 =	vmul.f32 v57, v56  }
0x141: {  	v63 =	vld [tilespmem:s21+$0x2FE0]  }
0x142: {  	v24 =	vld [tilespmem:s21+$0x7F0];
	v16 =	vadd.f32 v17, v16;
	v17 =	vmul.f32 v59, v58  }
0x143: {  	v25 =	vld [tilespmem:s21+$0x2FF0]  }
0x144: {  	v16 =	vadd.f32 v17, v16;
	v17 =	vmul.f32 v61, v60;
	_ =	sdelay $0x1  }
0x145: {  	v16 =	vadd.f32 v17, v16;
	v17 =	vmul.f32 v63, v62;
	_ =	sdelay $0x1  }
0x146: {  	v16 =	vadd.f32 v17, v16;
	v17 =	vmul.f32 v25, v24;
	_ =	sdelay $0x1  }
0x147: {  	v16 =	vadd.f32 v17, v16;
	_ =	sdelay $0x1  }
0x148: {  	[tilespmem:$0x51D0] =	vst v16  }
0x149: {  	v16 =	vld [tilespmem:s21+$0x800]  }
0x14a: {  	v17 =	vld [tilespmem:s21+$0x3000]  }
0x14b: {  	v26 =	vld [tilespmem:s21+$0x810]  }
0x14c: {  	v27 =	vld [tilespmem:s21+$0x3010]  }
0x14d: {  	v28 =	vld [tilespmem:s21+$0x820]  }
0x14e: {  	v29 =	vld [tilespmem:s21+$0x3020]  }
0x14f: {  	v30 =	vld [tilespmem:s21+$0x830]  }
0x150: {  	v31 =	vld [tilespmem:s21+$0x3030]  }
0x151: {  	v32 =	vld [tilespmem:s21+$0x840];
	v16 =	vmul.f32 v17, v16;
	v17 =	vmul.f32 v27, v26  }
0x152: {  	v33 =	vld [tilespmem:s21+$0x3040]  }
0x153: {  	v34 =	vld [tilespmem:s21+$0x850];
	v16 =	vadd.f32 v17, v16;
	v17 =	vmul.f32 v29, v28  }
0x154: {  	v35 =	vld [tilespmem:s21+$0x3050]  }
0x155: {  	v36 =	vld [tilespmem:s21+$0x860];
	v16 =	vadd.f32 v17, v16;
	v17 =	vmul.f32 v31, v30  }
0x156: {  	v37 =	vld [tilespmem:s21+$0x3060]  }
0x157: {  	v38 =	vld [tilespmem:s21+$0x870];
	v16 =	vadd.f32 v17, v16;
	v17 =	vmul.f32 v33, v32  }
0x158: {  	v39 =	vld [tilespmem:s21+$0x3070]  }
0x159: {  	v16 =	vadd.f32 v17, v16;
	v17 =	vmul.f32 v35, v34;
	_ =	sdelay $0x1  }
0x15a: {  	v16 =	vadd.f32 v17, v16;
	v17 =	vmul.f32 v37, v36;
	_ =	sdelay $0x1  }
0x15b: {  	v16 =	vadd.f32 v17, v16;
	v17 =	vmul.f32 v39, v38;
	_ =	sdelay $0x1  }
0x15c: {  	v16 =	vadd.f32 v17, v16;
	_ =	sdelay $0x1  }
0x15d: {  	[tilespmem:$0x51E0] =	vst v16  }
0x15e: {  	v16 =	vld [tilespmem:s21+$0x880]  }
0x15f: {  	v17 =	vld [tilespmem:s21+$0x3080]  }
0x160: {  	v40 =	vld [tilespmem:s21+$0x890]  }
0x161: {  	v41 =	vld [tilespmem:s21+$0x3090]  }
0x162: {  	v42 =	vld [tilespmem:s21+$0x8A0]  }
0x163: {  	v43 =	vld [tilespmem:s21+$0x30A0]  }
0x164: {  	v44 =	vld [tilespmem:s21+$0x8B0]  }
0x165: {  	v45 =	vld [tilespmem:s21+$0x30B0]  }
0x166: {  	v46 =	vld [tilespmem:s21+$0x8C0];
	v16 =	vmul.f32 v17, v16;
	v17 =	vmul.f32 v41, v40  }
0x167: {  	v47 =	vld [tilespmem:s21+$0x30C0]  }
0x168: {  	v48 =	vld [tilespmem:s21+$0x8D0];
	v16 =	vadd.f32 v17, v16;
	v17 =	vmul.f32 v43, v42  }
0x169: {  	v49 =	vld [tilespmem:s21+$0x30D0]  }
0x16a: {  	v50 =	vld [tilespmem:s21+$0x8E0];
	v16 =	vadd.f32 v17, v16;
	v17 =	vmul.f32 v45, v44  }
0x16b: {  	v51 =	vld [tilespmem:s21+$0x30E0]  }
0x16c: {  	v52 =	vld [tilespmem:s21+$0x8F0];
	v16 =	vadd.f32 v17, v16;
	v17 =	vmul.f32 v47, v46  }
0x16d: {  	v53 =	vld [tilespmem:s21+$0x30F0]  }
0x16e: {  	v16 =	vadd.f32 v17, v16;
	v17 =	vmul.f32 v49, v48;
	_ =	sdelay $0x1  }
0x16f: {  	v16 =	vadd.f32 v17, v16;
	v17 =	vmul.f32 v51, v50;
	_ =	sdelay $0x1  }
0x170: {  	v16 =	vadd.f32 v17, v16;
	v17 =	vmul.f32 v53, v52;
	_ =	sdelay $0x1  }
0x171: {  	v16 =	vadd.f32 v17, v16;
	_ =	sdelay $0x1  }
0x172: {  	[tilespmem:$0x51F0] =	vst v16  }
0x173: {  	v16 =	vld.idx.msk [tilespmem:v0+s15+$0x0], $0xffff  }
0x174: {  	v17 =	vld.idx.msk [tilespmem:v1+s15+$0x0], $0xffff;
	_ =	sdelay $0x1  }
0x175: {  	v54 =	vld.idx.msk [tilespmem:v2+s15+$0x0], $0xffff;
	_ =	sdelay $0x1  }
0x176: {  	v55 =	vld.idx.msk [tilespmem:v3+s15+$0x0], $0xffff  }
0x177: {  	v16 =	vadd.f32 v17, v16  }
0x178: {  	v17 =	vld.idx.msk [tilespmem:v4+s15+$0x0], $0xffff  }
0x179: {  	v16 =	vadd.f32 v54, v16  }
0x17a: {  	v56 =	vld.idx.msk [tilespmem:v5+s15+$0x0], $0xffff  }
0x17b: {  	v16 =	vadd.f32 v55, v16  }
0x17c: {  	v57 =	vld.idx.msk [tilespmem:v6+s15+$0x0], $0xffff  }
0x17d: {  	v16 =	vadd.f32 v17, v16  }
0x17e: {  	v17 =	vld.idx.msk [tilespmem:v7+s15+$0x0], $0xffff  }
0x17f: {  	v16 =	vadd.f32 v56, v16  }
0x180: {  	v58 =	vld.idx.msk [tilespmem:v8+s15+$0x0], $0xffff  }
0x181: {  	v16 =	vadd.f32 v57, v16  }
0x182: {  	v59 =	vld.idx.msk [tilespmem:v9+s15+$0x0], $0xffff  }
0x183: {  	v16 =	vadd.f32 v17, v16  }
0x184: {  	v17 =	vld.idx.msk [tilespmem:v10+s15+$0x0], $0xffff  }
0x185: {  	v16 =	vadd.f32 v58, v16  }
0x186: {  	v60 =	vld.idx.msk [tilespmem:v11+s15+$0x0], $0xffff  }
0x187: {  	v16 =	vadd.f32 v59, v16  }
0x188: {  	v61 =	vld.idx.msk [tilespmem:v12+s15+$0x0], $0xffff  }
0x189: {  	v16 =	vadd.f32 v17, v16  }
0x18a: {  	v17 =	vld.idx.msk [tilespmem:v13+s15+$0x0], $0xffff  }
0x18b: {  	v16 =	vadd.f32 v60, v16  }
0x18c: {  	v62 =	vld.idx.msk [tilespmem:v14+s15+$0x0], $0xffff  }
0x18d: {  	v16 =	vadd.f32 v61, v16  }
0x18e: {  	v63 =	vld.idx.msk [tilespmem:v15+s15+$0x0], $0xffff  }
0x18f: {  	v16 =	vadd.f32 v17, v16;
	_ =	sdelay $0x1  }
0x190: {  	v16 =	vadd.f32 v62, v16;
	_ =	sdelay $0x1  }
0x191: {  	v16 =	vadd.f32 v63, v16;
	_ =	sdelay $0x1  }
0x192: {  	v16 =	vsub.f32 $0.0e+00, v16;
	_ =	sdelay $0x1  }
0x193: {  	v16 =	vmul.f32 $1.442695020e+00, v16;
	_ =	sdelay $0x1  }
0x194: {  	(erf) = vpow2.f32 v16;
	_ =	sdelay $0x8  }
0x195: {  	v16 =	vpop (erf)  }
0x196: {  	v16 =	vadd.f32 $1.000000000e+00, v16;
	_ =	sdelay $0x1  }
0x197: {  	(erf) = vrcp.f32 v16;
	_ =	sdelay $0x4  }
0x198: {  	p0 =	sne.s32 s20, $0x4  }
.Ltmp0:
0x199: {  	_ = 	snop;
	(pc) =	sbr.rel @p0 .LBB2_3-.Ltmp0, $4  }
0x19a: {  	_ = 	snop  }
0x19b: {  	s31 =	sshll.u32 s20, $0x4  }
0x19c: {  	s21 =	sand.u32 $0x3FFFFFF0, s31;
	v16 =	vpop (erf)  }
0x19d: {  	s20 =	sadd.s32 $0x1, s20;
	[tilespmem:s21+$0x5200] =	vst v16  }
0x19e: {  	s18 =	sadd.s32 $0x1, s18  }
0x19f: {  	p0 =	sne.s32 s18, $0x7D  }
.Ltmp1:
0x1a0: {  	s19 =	sadd.s32 s5, s19;
	(pc) =	sbr.rel @p0 .LBB2_2-.Ltmp1, $4  }
0x1a1: {  	[hbm4b:s19+s6] =	stream.linear.scatter [tilespmem:s16], [sflag:$0x2], $0x50, $0x38;
	[tilespmem:$0x5280] =	vst v63  }
0x1a2: {  	_ =	swait.ge [sflag:s9], $0x50  }
0x1a3: {  	[sflag:s9] =	ssyncset.done $0x0  }
0x1a4: {  	[sflag:s9] =	ssyncadd.s32 $0xFFFFFFB0  }
0x1a5: {  	s17 =	sadd.s32 $0x1, s17  }
0x1a6: {  	p0 =	sne.s32 s17, s8  }
.Ltmp2:
0x1a7: {  	_ = 	snop;
	(pc) =	sbr.rel @p0 .LBB2_1-.Ltmp2, $1  }
0x1a8: {  	_ =	sdelay $0x3  }
0x1a9: {  	_ =	sfence.sel $0x180000  }
0x1aa: {  	[bflag:$0x0] =	sbarrier.arrive $0xFFFF  }
0x1ab: {  	p0 =	sne.s32 s4, $0x0;
	_ =	strace $0x90000047  }
0x1ac: {  	s0 =	sadd.s32 @!p0 $0x100000, s1;
	[bflag:$0x2] =	sbarrier.arrive $0xFFFF  }
0x1ad: {  	[sflag:s0] =	ssyncadd.tile.s32 @!p0 $0x1;
	_ =	shalt  }
.Lfunc_end2:
_tile_overlayer_lowered:
.L_overlay_start_2:
0x1ae: {  	(tag) =	ssettag $0x2  }
0x1af: {  	s0 =	rddreg [dreg:$0x0];
	s2 =	stileid.u32  }
0x1b0: {  	s1 =	rddreg [dreg:$0x1];
	p0 =	sne.s32 s2, $0x0  }
0x1b1: {  	s3 =	rddreg [dreg:$0x2];
	[bflag:$0x3] =	sbarrier.arrive $0xFFFF;
	s2 =	simm.s32 @!p0 $0x1C02  }
0x1b2: {  	[timem:s3], [sflag:s2] =	dma.local @!p0 [hbm:s0], s1  }
0x1b3: {  	s0 =	simm.s32 @!p0 $0x2  }
0x1b4: {  	_ =	swait.ge @!p0 [sflag:s0], s1  }
0x1b5: {  	s1 =	ssub.s32 @!p0 $0x0, s1;
	[sflag:s0] =	ssyncset.done @!p0 $0x0  }
0x1b6: {  	[sflag:s0] =	ssyncadd.s32 @!p0 s1  }
0x1b7: {  	[bflag:$0x3] =	sbarrier.arrive $0xFFFF  }
0x1b8: {  	_ =	shalt  }

</sc_bundles>
